<compile_context>
chip_gen: v7x
topology: tpu7x:2x2x1
jax: 0.10.2.dev20260603
libtpu: 0.0.44.dev20260713+nightly
codegen_flags: <defaults>
</compile_context>

<pallas_src>
import jax
import jax.numpy as jnp
from jax import lax
from jax.experimental import pallas as pl
from jax.experimental.pallas import tpu as pltpu
from jax.experimental.pallas import tpu_sc as plsc

N = 10000
N_PAD = 10240
E = 160000
E_PAD = 163840
D = 256
DH = 128
NC = 2
NS = 16
RPT = N_PAD // NS
K = 128
BPT_C = E_PAD // NS // K
DUMP = N_PAD - 1
NBUF = 4

_mesh = plsc.VectorSubcoreMesh(
    core_axis_name="c", subcore_axis_name="s", num_cores=NC, num_subcores=NS)


_DEG_KERNEL_CFG = dict(
    out_type=jax.ShapeDtypeStruct((NC, N_PAD, DH), jnp.float32),
    scratch_types=[
        pltpu.VMEM_SHARED((N_PAD, DH), jnp.float32),
        pltpu.VMEM((BPT_C, K), jnp.int32),
        pltpu.VMEM((K, DH), jnp.float32),
        pltpu.SemaphoreType.DMA,
        pltpu.SemaphoreType.DMA,
        pltpu.SemaphoreType.DMA,
        pltpu.SemaphoreType.DMA,
    ],
)
def _sc_degrees_body(idx2_hbm, ones_hbm, zeros_hbm, hist_hbm,
                     sp_h, idxv, ones_v, m0, m1, m2, m3):
    c = lax.axis_index("c")
    s = lax.axis_index("s")
    r0 = s * RPT
    sems = [m0, m1, m2, m3]

    pltpu.sync_copy(ones_hbm, ones_v)
    pltpu.sync_copy(idx2_hbm.at[c * NS + s], idxv)
    pltpu.sync_copy(zeros_hbm.at[pl.ds(r0, RPT)], sp_h.at[pl.ds(r0, RPT)])
    plsc.subcore_barrier()

    def round_body(g, carry):
        for j in range(NBUF):
            i = g * NBUF + j

            @pl.when(g > 0)
            def _():
                pltpu.make_async_copy(
                    ones_v, sp_h.at[idxv.at[0]], sems[j]).wait()

            pltpu.async_copy(ones_v, sp_h.at[idxv.at[i]], sems[j], add=True)
        return carry

    lax.fori_loop(0, BPT_C // NBUF, round_body, 0)
    for j in range(NBUF):
        pltpu.make_async_copy(ones_v, sp_h.at[idxv.at[0]], sems[j]).wait()
    plsc.subcore_barrier()

    pltpu.sync_copy(sp_h.at[pl.ds(r0, RPT)], hist_hbm.at[c, pl.ds(r0, RPT)])


_sc_degrees = pl.kernel(_sc_degrees_body, mesh=_mesh, **_DEG_KERNEL_CFG)


def _scale_body(feat_ref, hist_ref, fs_ref, nr_ref):
    h = hist_ref[...]
    deg_o = h[0, :, 0]
    deg_i = h[1, :, 0]
    norm_l = lax.rsqrt(jnp.maximum(deg_o, 1.0))
    norm_r = lax.rsqrt(jnp.maximum(deg_i, 1.0))
    f = feat_ref[...] * norm_l[:, None]
    fs_ref[0] = f[:, :DH]
    fs_ref[1] = f[:, DH:]
    nr_ref[...] = norm_r[:, None]


def _tc_scale(feat, hist):
    R = 1000
    grid = N // R
    return pl.pallas_call(
        _scale_body,
        grid=(grid,),
        in_specs=[
            pl.BlockSpec((R, D), lambda i: (i, 0)),
            pl.BlockSpec((NC, R, DH), lambda i: (0, i, 0)),
        ],
        out_specs=[
            pl.BlockSpec((NC, R, DH), lambda i: (0, i, 0)),
            pl.BlockSpec((R, 1), lambda i: (i, 0)),
        ],
        out_shape=[
            jax.ShapeDtypeStruct((NC, N, DH), jnp.float32),
            jax.ShapeDtypeStruct((N, 1), jnp.float32),
        ],
    )(feat, hist)


_AGG_KERNEL_CFG = dict(
    out_type=jax.ShapeDtypeStruct((NC, N_PAD, DH), jnp.float32),
    scratch_types=[
        pltpu.VMEM_SHARED((N_PAD, DH), jnp.float32),
        pltpu.VMEM((BPT_C, K), jnp.int32),
        pltpu.VMEM((K,), jnp.int32),
        pltpu.VMEM((K,), jnp.int32),
        pltpu.VMEM((K,), jnp.int32),
        pltpu.VMEM((K,), jnp.int32),
        pltpu.VMEM((K, DH), jnp.float32),
        pltpu.VMEM((K, DH), jnp.float32),
        pltpu.SemaphoreType.DMA,
        pltpu.SemaphoreType.DMA,
        pltpu.SemaphoreType.DMA,
        pltpu.SemaphoreType.DMA,
        pltpu.SemaphoreType.DMA,
        pltpu.SemaphoreType.DMA,
        pltpu.SemaphoreType.DMA,
        pltpu.SemaphoreType.DMA,
    ],
)
def _sc_aggregate_body(feat2_hbm, src2_hbm, dst3_hbm, zeros_hbm,
                       agg_hbm,
                       sp_agg, idxd, i0, i1, i2, i3, b0, b1,
                       n0, n1, n2, n3, g0, g1, t0, t1):
    c = lax.axis_index("c")
    s = lax.axis_index("s")
    r0 = s * RPT
    w = c * NS + s
    idxs = [i0, i1, i2, i3]
    isem = [n0, n1, n2, n3]
    bufs = [b0, b1]
    gsem = [g0, g1]
    ssem = [t0, t1]

    def idx_load_start(i, sl):
        pltpu.async_copy(src2_hbm.at[w, i], idxs[sl], isem[sl])

    def idx_wait(sl):
        pltpu.make_async_copy(src2_hbm.at[w, 0], idxs[sl], isem[sl]).wait()

    def gather_start(sl, bl):
        pltpu.async_copy(feat2_hbm.at[idxs[sl]], bufs[bl], gsem[bl])

    def gather_wait(bl):
        pltpu.make_async_copy(
            feat2_hbm.at[idxs[0]], bufs[bl], gsem[bl]).wait()

    def scat_start(i, bl):
        pltpu.async_copy(bufs[bl], sp_agg.at[idxd.at[i]], ssem[bl], add=True)

    def scat_wait(bl):
        pltpu.make_async_copy(
            bufs[bl], sp_agg.at[idxd.at[0]], ssem[bl]).wait()

    pltpu.sync_copy(dst3_hbm.at[s], idxd)
    idx_load_start(0, 0)
    idx_load_start(1, 1)
    pltpu.sync_copy(zeros_hbm.at[pl.ds(r0, RPT)], sp_agg.at[pl.ds(r0, RPT)])
    plsc.subcore_barrier()

    def round_body(g, carry):
        for j in range(4):
            i = g * 4 + j
            bl = j % 2
            bl1 = (j + 1) % 2

            if j >= 2:
                scat_wait(bl)
            else:
                @pl.when(g > 0)
                def _():
                    scat_wait(bl)

            if j >= 2:
                @pl.when(g < BPT_C // 4 - 1)
                def _():
                    idx_load_start(i + 2, (j + 2) % 4)
            else:
                idx_load_start(i + 2, (j + 2) % 4)

            idx_wait(j)
            gather_start(j, bl)

            if j >= 1:
                gather_wait(bl1)
                scat_start(i - 1, bl1)
            else:
                @pl.when(g > 0)
                def _():
                    gather_wait(bl1)
                    scat_start(i - 1, bl1)
        return carry

    lax.fori_loop(0, BPT_C // 4, round_body, 0)
    gather_wait((BPT_C - 1) % 2)
    scat_start(BPT_C - 1, (BPT_C - 1) % 2)
    scat_wait(0)
    scat_wait(1)
    plsc.subcore_barrier()

    pltpu.sync_copy(sp_agg.at[pl.ds(r0, RPT)], agg_hbm.at[c, pl.ds(r0, RPT)])


_sc_aggregate = pl.kernel(_sc_aggregate_body, mesh=_mesh, **_AGG_KERNEL_CFG)


def _matmul_body(agg_ref, w_ref, nr_ref, b_ref, out_ref):
    a = agg_ref[...]
    wm = w_ref[...]
    acc = jnp.dot(a[0], wm[:DH, :], preferred_element_type=jnp.float32)
    acc += jnp.dot(a[1], wm[DH:, :], preferred_element_type=jnp.float32)
    out_ref[...] = acc * nr_ref[...] + b_ref[...]


def _tc_matmul(agg2, W, nr, b2):
    R = 1000
    grid = N // R
    return pl.pallas_call(
        _matmul_body,
        grid=(grid,),
        in_specs=[
            pl.BlockSpec((NC, R, DH), lambda i: (0, i, 0)),
            pl.BlockSpec((D, D), lambda i: (0, 0)),
            pl.BlockSpec((R, 1), lambda i: (i, 0)),
            pl.BlockSpec((1, D), lambda i: (0, 0)),
        ],
        out_specs=pl.BlockSpec((R, D), lambda i: (i, 0)),
        out_shape=jax.ShapeDtypeStruct((N, D), jnp.float32),
    )(agg2, W, nr, b2)


@jax.jit
def kernel(feat, edge_index, W, b):
    src = edge_index[0].astype(jnp.int32)
    dst = edge_index[1].astype(jnp.int32)

    npad = E_PAD - E
    pad_dump = jnp.full((npad,), DUMP, jnp.int32)
    src_h = jnp.concatenate([src, pad_dump])
    dst_p = jnp.concatenate([dst, pad_dump])
    idx2 = jnp.concatenate([src_h, dst_p]).reshape(NC * NS, BPT_C, K)
    src_p0 = jnp.concatenate([src, jnp.zeros((npad,), jnp.int32)])
    src2 = jnp.concatenate([src_p0, src_p0 + N]).reshape(NC * NS, BPT_C, K)
    dst3 = dst_p.reshape(NS, BPT_C, K)

    ones = jnp.ones((K, DH), jnp.float32)
    zeros = jnp.zeros((N_PAD, DH), jnp.float32)

    hist = _sc_degrees(idx2, ones, zeros)
    fs2, nr = _tc_scale(feat, hist)

    feat_flat = fs2.reshape(NC * N, DH)
    agg2 = _sc_aggregate(feat_flat, src2, dst3, zeros)

    return _tc_matmul(agg2, W, nr, b.reshape(1, D))

# --- scband reference (transcript-rebuilt; emitter-appended) ---
"""Pipeline reference for scband-my-graph-conv-15977278341801 (READ-ONLY COPY).

The authoritative reference and input builder live on the scoring server;
editing this copy changes nothing except your own understanding.
"""

import jax, jax.numpy as jnp
import numpy as np

N_NODES = 10000
N_EDGES = 160000
D_IN = 256
D_OUT = 256


def setup_inputs(seed: int = 0) -> dict:
    key = jax.random.key(seed)
    k1, k2, k3 = jax.random.split(key, 3)
    feat = jax.random.normal(k1, (N_NODES, D_IN), dtype=jnp.float32)
    edge_index = jax.random.randint(k2, (2, N_EDGES), 0, N_NODES, dtype=jnp.int64)
    # xavier_uniform init for weight [D_IN, D_OUT]
    limit = float(np.sqrt(6.0 / (D_IN + D_OUT)))
    W = jax.random.uniform(k3, (D_IN, D_OUT), dtype=jnp.float32, minval=-limit, maxval=limit)
    b = jnp.zeros((D_OUT,), dtype=jnp.float32)
    return {"feat": feat, "edge_index": edge_index, "W": W, "b": b}


def reference(feat, edge_index, W, b):
    # MyGraphConv with norm='both', weight=True, bias=True, activation=None.
    # Since input_features == output_features (not >), path: aggregate first, then matmul.
    src = edge_index[0]
    dst = edge_index[1]
    n = feat.shape[0]

    # left norm: out-degrees ** -0.5 applied to source features
    deg_out = jnp.bincount(src, length=n).astype(feat.dtype)
    norm_l = jnp.power(jnp.clip(deg_out, 1.0, None), -0.5)
    feat_src = feat * norm_l[:, None]

    # message passing: copy_u + sum aggregation (gather by src, scatter-add by dst)
    msgs = jnp.take(feat_src, src, axis=0)
    agg = jax.ops.segment_sum(msgs, dst, num_segments=n)

    # linear transform after aggregation
    rst = jnp.matmul(agg, W)

    # right norm: in-degrees ** -0.5 applied to result
    deg_in = jnp.bincount(dst, length=n).astype(feat.dtype)
    norm_r = jnp.power(jnp.clip(deg_in, 1.0, None), -0.5)
    rst = rst * norm_r[:, None]

    # bias
    rst = rst + b
    return rst

if __name__ == "__main__":
    import jax
    _d = setup_inputs()
    print(jax.jit(kernel)(*tuple(_d.values())))

</pallas_src>

<mosaic_0001>
#map = affine_map<(d0, d1) -> (0, 0)>
#map1 = affine_map<(d0, d1) -> (0, 0, 0)>
module attributes {stable_mosaic.version = 14 : i64} {
  func.func @_sc_aggregate_body(%arg0: i32, %arg1: i32, %arg2: memref<20000x128xf32, #tpu.memory_space<hbm>>, %arg3: memref<32x80x128xi32, #tpu.memory_space<hbm>>, %arg4: memref<16x80x128xi32, #tpu.memory_space<hbm>>, %arg5: memref<10240x128xf32, #tpu.memory_space<hbm>>, %arg6: memref<2x10240x128xf32, #tpu.memory_space<hbm>>, %arg7: memref<10240x128xf32, #tpu.memory_space<vmem_shared>>, %arg8: memref<80x128xi32, #tpu.memory_space<vmem>>, %arg9: memref<128xi32, #tpu.memory_space<vmem>>, %arg10: memref<128xi32, #tpu.memory_space<vmem>>, %arg11: memref<128xi32, #tpu.memory_space<vmem>>, %arg12: memref<128xi32, #tpu.memory_space<vmem>>, %arg13: memref<128x128xf32, #tpu.memory_space<vmem>>, %arg14: memref<128x128xf32, #tpu.memory_space<vmem>>, %arg15: memref<!tpu.dma_semaphore, #tpu.memory_space<semaphore_mem>>, %arg16: memref<!tpu.dma_semaphore, #tpu.memory_space<semaphore_mem>>, %arg17: memref<!tpu.dma_semaphore, #tpu.memory_space<semaphore_mem>>, %arg18: memref<!tpu.dma_semaphore, #tpu.memory_space<semaphore_mem>>, %arg19: memref<!tpu.dma_semaphore, #tpu.memory_space<semaphore_mem>>, %arg20: memref<!tpu.dma_semaphore, #tpu.memory_space<semaphore_mem>>, %arg21: memref<!tpu.dma_semaphore, #tpu.memory_space<semaphore_mem>>, %arg22: memref<!tpu.dma_semaphore, #tpu.memory_space<semaphore_mem>>) attributes {dimension_semantics = [#tpu.dimension_semantics<core_parallel>, #tpu.dimension_semantics<subcore_parallel>], iteration_bounds = array<i64: 2, 16>, scalar_prefetch = 0 : i64, scratch_operands = 16 : i64, tpu.core_type = #tpu.core_type<sc_vector_subcore>, window_params = [{transform_indices = #map}, {transform_indices = #map1}, {transform_indices = #map1}, {transform_indices = #map}, {transform_indices = #map1}]} {
    %mul3A = arith.constant 640 : i32
    %mul3A_0 = arith.muli %arg1, %mul3A : i32
    %mul3A_1 = arith.constant 16 : i32
    %mul3A_2 = arith.muli %arg0, %mul3A_1 : i32
    %add3A = arith.addi %mul3A_2, %arg1 : i32
    "tpu.region"() ({
      %run_scoped3A = tpu.sem_alloc : memref<!tpu.dma_semaphore, #tpu.memory_space<semaphore_mem>>
      %dma_start3A_45 = arith.constant 0 : i32
      %dma_start3A_46 = arith.constant 0 : i32
      %dma_start3A_47 = tpu.memref_slice %arg4[%arg1, %dma_start3A_45, %dma_start3A_46] : memref<16x80x128xi32, #tpu.memory_space<hbm>> -> memref<1x80x128xi32, #tpu.memory_space<hbm>>
      %dma_start3A_48 = tpu.memref_squeeze %dma_start3A_47 : memref<1x80x128xi32, #tpu.memory_space<hbm>> -> memref<80x128xi32, #tpu.memory_space<hbm>>
      %dma_start3A_49 = arith.constant 0 : i32
      %dma_start3A_50 = arith.constant 0 : i32
      %dma_start3A_51 = tpu.memref_slice %arg4[%arg1, %dma_start3A_49, %dma_start3A_50] : memref<16x80x128xi32, #tpu.memory_space<hbm>> -> memref<1x80x128xi32, #tpu.memory_space<hbm>>
      %dma_start3A_52 = tpu.memref_squeeze %dma_start3A_51 : memref<1x80x128xi32, #tpu.memory_space<hbm>> -> memref<80x128xi32, #tpu.memory_space<hbm>>
      tpu.enqueue_dma source(%dma_start3A_52 : memref<80x128xi32, #tpu.memory_space<hbm>>) target(%arg8 : memref<80x128xi32, #tpu.memory_space<vmem>>) target_semaphore(%run_scoped3A : memref<!tpu.dma_semaphore, #tpu.memory_space<semaphore_mem>>)
      %dma_wait3A_53 = arith.constant 0 : i32
      %dma_wait3A_54 = arith.constant 0 : i32
      %dma_wait3A_55 = tpu.memref_slice %arg4[%arg1, %dma_wait3A_53, %dma_wait3A_54] : memref<16x80x128xi32, #tpu.memory_space<hbm>> -> memref<1x80x128xi32, #tpu.memory_space<hbm>>
      %dma_wait3A_56 = tpu.memref_squeeze %dma_wait3A_55 : memref<1x80x128xi32, #tpu.memory_space<hbm>> -> memref<80x128xi32, #tpu.memory_space<hbm>>
      %dma_wait3A_57 = arith.constant 0 : i32
      %dma_wait3A_58 = arith.constant 0 : i32
      %dma_wait3A_59 = tpu.memref_slice %arg4[%arg1, %dma_wait3A_57, %dma_wait3A_58] : memref<16x80x128xi32, #tpu.memory_space<hbm>> -> memref<1x80x128xi32, #tpu.memory_space<hbm>>
      %dma_wait3A_60 = tpu.memref_squeeze %dma_wait3A_59 : memref<1x80x128xi32, #tpu.memory_space<hbm>> -> memref<80x128xi32, #tpu.memory_space<hbm>>
      tpu.wait_dma2 semaphore(%run_scoped3A : memref<!tpu.dma_semaphore, #tpu.memory_space<semaphore_mem>>) src(%dma_wait3A_60 : memref<80x128xi32, #tpu.memory_space<hbm>>) dst(%arg8 : memref<80x128xi32, #tpu.memory_space<vmem>>)
      tpu.yield
    }) : () -> ()
    %dma_start3A = arith.constant 0 : i32
    %dma_start3A_3 = arith.constant 0 : i32
    %dma_start3A_4 = tpu.memref_slice %arg3[%add3A, %dma_start3A, %dma_start3A_3] : memref<32x80x128xi32, #tpu.memory_space<hbm>> -> memref<1x1x128xi32, #tpu.memory_space<hbm>>
    %dma_start3A_5 = tpu.memref_squeeze %dma_start3A_4 : memref<1x1x128xi32, #tpu.memory_space<hbm>> -> memref<128xi32, #tpu.memory_space<hbm>>
    %dma_start3A_6 = arith.constant 0 : i32
    %dma_start3A_7 = tpu.memref_slice %arg3[%add3A, %dma_start3A, %dma_start3A_6] : memref<32x80x128xi32, #tpu.memory_space<hbm>> -> memref<1x1x128xi32, #tpu.memory_space<hbm>>
    %dma_start3A_8 = tpu.memref_squeeze %dma_start3A_7 : memref<1x1x128xi32, #tpu.memory_space<hbm>> -> memref<128xi32, #tpu.memory_space<hbm>>
    tpu.enqueue_dma source(%dma_start3A_8 : memref<128xi32, #tpu.memory_space<hbm>>) target(%arg9 : memref<128xi32, #tpu.memory_space<vmem>>) target_semaphore(%arg15 : memref<!tpu.dma_semaphore, #tpu.memory_space<semaphore_mem>>)
    %dma_start3A_9 = arith.constant 1 : i32
    %dma_start3A_10 = arith.constant 0 : i32
    %dma_start3A_11 = tpu.memref_slice %arg3[%add3A, %dma_start3A_9, %dma_start3A_10] : memref<32x80x128xi32, #tpu.memory_space<hbm>> -> memref<1x1x128xi32, #tpu.memory_space<hbm>>
    %dma_start3A_12 = tpu.memref_squeeze %dma_start3A_11 : memref<1x1x128xi32, #tpu.memory_space<hbm>> -> memref<128xi32, #tpu.memory_space<hbm>>
    %dma_start3A_13 = arith.constant 0 : i32
    %dma_start3A_14 = tpu.memref_slice %arg3[%add3A, %dma_start3A_9, %dma_start3A_13] : memref<32x80x128xi32, #tpu.memory_space<hbm>> -> memref<1x1x128xi32, #tpu.memory_space<hbm>>
    %dma_start3A_15 = tpu.memref_squeeze %dma_start3A_14 : memref<1x1x128xi32, #tpu.memory_space<hbm>> -> memref<128xi32, #tpu.memory_space<hbm>>
    tpu.enqueue_dma source(%dma_start3A_15 : memref<128xi32, #tpu.memory_space<hbm>>) target(%arg10 : memref<128xi32, #tpu.memory_space<vmem>>) target_semaphore(%arg16 : memref<!tpu.dma_semaphore, #tpu.memory_space<semaphore_mem>>)
    "tpu.region"() ({
      %run_scoped3A = tpu.sem_alloc : memref<!tpu.dma_semaphore, #tpu.memory_space<semaphore_mem>>
      %dma_start3A_45 = arith.constant 0 : i32
      %dma_start3A_46 = tpu.memref_slice %arg7[%mul3A_0, %dma_start3A_45] : memref<10240x128xf32, #tpu.memory_space<vmem_shared>> -> memref<640x128xf32, #tpu.memory_space<vmem_shared>>
      %dma_start3A_47 = arith.constant 0 : i32
      %dma_start3A_48 = tpu.memref_slice %arg5[%mul3A_0, %dma_start3A_47] : memref<10240x128xf32, #tpu.memory_space<hbm>> -> memref<640x128xf32, #tpu.memory_space<hbm>>
      tpu.enqueue_dma source(%dma_start3A_48 : memref<640x128xf32, #tpu.memory_space<hbm>>) target(%dma_start3A_46 : memref<640x128xf32, #tpu.memory_space<vmem_shared>>) target_semaphore(%run_scoped3A : memref<!tpu.dma_semaphore, #tpu.memory_space<semaphore_mem>>)
      %dma_wait3A_49 = arith.constant 0 : i32
      %dma_wait3A_50 = tpu.memref_slice %arg7[%mul3A_0, %dma_wait3A_49] : memref<10240x128xf32, #tpu.memory_space<vmem_shared>> -> memref<640x128xf32, #tpu.memory_space<vmem_shared>>
      %dma_wait3A_51 = arith.constant 0 : i32
      %dma_wait3A_52 = tpu.memref_slice %arg5[%mul3A_0, %dma_wait3A_51] : memref<10240x128xf32, #tpu.memory_space<hbm>> -> memref<640x128xf32, #tpu.memory_space<hbm>>
      tpu.wait_dma2 semaphore(%run_scoped3A : memref<!tpu.dma_semaphore, #tpu.memory_space<semaphore_mem>>) src(%dma_wait3A_52 : memref<640x128xf32, #tpu.memory_space<hbm>>) dst(%dma_wait3A_50 : memref<640x128xf32, #tpu.memory_space<vmem_shared>>)
      tpu.yield
    }) : () -> ()
    %barrier3A = arith.constant 0 : index
    tpu.barrier barrier_id(%barrier3A)
    %scan3A = arith.constant 0 : i32
    %scan3A_16 = arith.constant 0 : i32
    %scan3A_17 = arith.constant 20 : i32
    %scan3A_18 = arith.addi %scan3A_16, %scan3A_17 : i32
    %scan3A_19 = arith.constant 1 : i32
    scf.for %scan3A_45 = %scan3A_16 to %scan3A_18 step %scan3A_19  : i32 {
      %mul3A_46 = arith.constant 4 : i32
      %mul3A_47 = arith.muli %scan3A_45, %mul3A_46 : i32
      %add3A_48 = arith.constant 0 : i32
      %add3A_49 = arith.addi %mul3A_47, %add3A_48 : i32
      %gt3A = arith.constant 0 : i32
      %gt3A_50 = arith.cmpi sgt, %scan3A_45, %gt3A : i32
      %convert_element_type3A = arith.extui %gt3A_50 : i1 to i32
      %cond3A = arith.constant 0 : i32
      %cond3A_51 = arith.cmpi ne, %convert_element_type3A, %cond3A : i32
      scf.if %cond3A_51 {
        %dma_wait3A_185 = arith.constant 0 : i32
        %dma_wait3A_186 = arith.constant 0 : i32
        %dma_wait3A_187 = tpu.memref_slice %arg8[%dma_wait3A_185, %dma_wait3A_186] : memref<80x128xi32, #tpu.memory_space<vmem>> -> memref<1x128xi32, #tpu.memory_space<vmem>>
        %dma_wait3A_188 = tpu.memref_squeeze %dma_wait3A_187 : memref<1x128xi32, #tpu.memory_space<vmem>> -> memref<128xi32, #tpu.memory_space<vmem>>
        %dma_wait3A_189 = arith.constant 0 : i32
        %dma_wait3A_190 = arith.constant 0 : i32
        %dma_wait3A_191 = tpu.memref_slice %arg7[%dma_wait3A_189, %dma_wait3A_190] : memref<10240x128xf32, #tpu.memory_space<vmem_shared>> -> memref<10240x128xf32, #tpu.memory_space<vmem_shared>>
        tpu.wait_indirect_dma semaphore(%arg21 : memref<!tpu.dma_semaphore, #tpu.memory_space<semaphore_mem>>) src(%arg13 : memref<128x128xf32, #tpu.memory_space<vmem>>) dst(%dma_wait3A_191 : memref<10240x128xf32, #tpu.memory_space<vmem_shared>>)
      } else {
      }
      %add3A_52 = arith.constant 2 : i32
      %add3A_53 = arith.addi %add3A_49, %add3A_52 : i32
      %dma_start3A_54 = arith.constant 0 : i32
      %dma_start3A_55 = tpu.memref_slice %arg3[%add3A, %add3A_53, %dma_start3A_54] : memref<32x80x128xi32, #tpu.memory_space<hbm>> -> memref<1x1x128xi32, #tpu.memory_space<hbm>>
      %dma_start3A_56 = tpu.memref_squeeze %dma_start3A_55 : memref<1x1x128xi32, #tpu.memory_space<hbm>> -> memref<128xi32, #tpu.memory_space<hbm>>
      %dma_start3A_57 = arith.constant 0 : i32
      %dma_start3A_58 = tpu.memref_slice %arg3[%add3A, %add3A_53, %dma_start3A_57] : memref<32x80x128xi32, #tpu.memory_space<hbm>> -> memref<1x1x128xi32, #tpu.memory_space<hbm>>
      %dma_start3A_59 = tpu.memref_squeeze %dma_start3A_58 : memref<1x1x128xi32, #tpu.memory_space<hbm>> -> memref<128xi32, #tpu.memory_space<hbm>>
      tpu.enqueue_dma source(%dma_start3A_59 : memref<128xi32, #tpu.memory_space<hbm>>) target(%arg11 : memref<128xi32, #tpu.memory_space<vmem>>) target_semaphore(%arg17 : memref<!tpu.dma_semaphore, #tpu.memory_space<semaphore_mem>>)
      %dma_wait3A_60 = arith.constant 0 : i32
      %dma_wait3A_61 = arith.constant 0 : i32
      %dma_wait3A_62 = tpu.memref_slice %arg3[%add3A, %dma_wait3A_60, %dma_wait3A_61] : memref<32x80x128xi32, #tpu.memory_space<hbm>> -> memref<1x1x128xi32, #tpu.memory_space<hbm>>
      %dma_wait3A_63 = tpu.memref_squeeze %dma_wait3A_62 : memref<1x1x128xi32, #tpu.memory_space<hbm>> -> memref<128xi32, #tpu.memory_space<hbm>>
      %dma_wait3A_64 = arith.constant 0 : i32
      %dma_wait3A_65 = tpu.memref_slice %arg3[%add3A, %dma_wait3A_60, %dma_wait3A_64] : memref<32x80x128xi32, #tpu.memory_space<hbm>> -> memref<1x1x128xi32, #tpu.memory_space<hbm>>
      %dma_wait3A_66 = tpu.memref_squeeze %dma_wait3A_65 : memref<1x1x128xi32, #tpu.memory_space<hbm>> -> memref<128xi32, #tpu.memory_space<hbm>>
      tpu.wait_dma2 semaphore(%arg15 : memref<!tpu.dma_semaphore, #tpu.memory_space<semaphore_mem>>) src(%dma_wait3A_66 : memref<128xi32, #tpu.memory_space<hbm>>) dst(%arg9 : memref<128xi32, #tpu.memory_space<vmem>>)
      %dma_start3A_67 = arith.constant 0 : i32
      %dma_start3A_68 = arith.constant 0 : i32
      %dma_start3A_69 = tpu.memref_slice %arg2[%dma_start3A_67, %dma_start3A_68] : memref<20000x128xf32, #tpu.memory_space<hbm>> -> memref<20000x128xf32, #tpu.memory_space<hbm>>
      tpu.enqueue_indirect_dma source(%dma_start3A_69 : memref<20000x128xf32, #tpu.memory_space<hbm>>) target(%arg13 : memref<128x128xf32, #tpu.memory_space<vmem>>) offsets(%arg9 : memref<128xi32, #tpu.memory_space<vmem>>) semaphore(%arg19 : memref<!tpu.dma_semaphore, #tpu.memory_space<semaphore_mem>>)
      %gt3A_70 = arith.constant 0 : i32
      %gt3A_71 = arith.cmpi sgt, %scan3A_45, %gt3A_70 : i32
      %convert_element_type3A_72 = arith.extui %gt3A_71 : i1 to i32
      %cond3A_73 = arith.constant 0 : i32
      %cond3A_74 = arith.cmpi ne, %convert_element_type3A_72, %cond3A_73 : i32
      scf.if %cond3A_74 {
        %dma_wait3A_185 = arith.constant 0 : i32
        %dma_wait3A_186 = arith.constant 0 : i32
        %dma_wait3A_187 = tpu.memref_slice %arg2[%dma_wait3A_185, %dma_wait3A_186] : memref<20000x128xf32, #tpu.memory_space<hbm>> -> memref<20000x128xf32, #tpu.memory_space<hbm>>
        tpu.wait_indirect_dma semaphore(%arg20 : memref<!tpu.dma_semaphore, #tpu.memory_space<semaphore_mem>>) src(%dma_wait3A_187 : memref<20000x128xf32, #tpu.memory_space<hbm>>) dst(%arg14 : memref<128x128xf32, #tpu.memory_space<vmem>>)
        %sub3A_188 = arith.constant 1 : i32
        %sub3A_189 = arith.subi %add3A_49, %sub3A_188 : i32
        %dma_start3A_190 = arith.constant 0 : i32
        %dma_start3A_191 = tpu.memref_slice %arg8[%sub3A_189, %dma_start3A_190] : memref<80x128xi32, #tpu.memory_space<vmem>> -> memref<1x128xi32, #tpu.memory_space<vmem>>
        %dma_start3A_192 = tpu.memref_squeeze %dma_start3A_191 : memref<1x128xi32, #tpu.memory_space<vmem>> -> memref<128xi32, #tpu.memory_space<vmem>>
        %dma_start3A_193 = arith.constant 0 : i32
        %dma_start3A_194 = arith.constant 0 : i32
        %dma_start3A_195 = tpu.memref_slice %arg7[%dma_start3A_193, %dma_start3A_194] : memref<10240x128xf32, #tpu.memory_space<vmem_shared>> -> memref<10240x128xf32, #tpu.memory_space<vmem_shared>>
        tpu.enqueue_indirect_dma source(%arg14 : memref<128x128xf32, #tpu.memory_space<vmem>>) target(%dma_start3A_195 : memref<10240x128xf32, #tpu.memory_space<vmem_shared>>) offsets(%dma_start3A_192 : memref<128xi32, #tpu.memory_space<vmem>>) semaphore(%arg22 : memref<!tpu.dma_semaphore, #tpu.memory_space<semaphore_mem>>) {add = true}
      } else {
      }
      %mul3A_75 = arith.constant 4 : i32
      %mul3A_76 = arith.muli %scan3A_45, %mul3A_75 : i32
      %add3A_77 = arith.constant 1 : i32
      %add3A_78 = arith.addi %mul3A_76, %add3A_77 : i32
      %gt3A_79 = arith.constant 0 : i32
      %gt3A_80 = arith.cmpi sgt, %scan3A_45, %gt3A_79 : i32
      %convert_element_type3A_81 = arith.extui %gt3A_80 : i1 to i32
      %cond3A_82 = arith.constant 0 : i32
      %cond3A_83 = arith.cmpi ne, %convert_element_type3A_81, %cond3A_82 : i32
      scf.if %cond3A_83 {
        %dma_wait3A_185 = arith.constant 0 : i32
        %dma_wait3A_186 = arith.constant 0 : i32
        %dma_wait3A_187 = tpu.memref_slice %arg8[%dma_wait3A_185, %dma_wait3A_186] : memref<80x128xi32, #tpu.memory_space<vmem>> -> memref<1x128xi32, #tpu.memory_space<vmem>>
        %dma_wait3A_188 = tpu.memref_squeeze %dma_wait3A_187 : memref<1x128xi32, #tpu.memory_space<vmem>> -> memref<128xi32, #tpu.memory_space<vmem>>
        %dma_wait3A_189 = arith.constant 0 : i32
        %dma_wait3A_190 = arith.constant 0 : i32
        %dma_wait3A_191 = tpu.memref_slice %arg7[%dma_wait3A_189, %dma_wait3A_190] : memref<10240x128xf32, #tpu.memory_space<vmem_shared>> -> memref<10240x128xf32, #tpu.memory_space<vmem_shared>>
        tpu.wait_indirect_dma semaphore(%arg22 : memref<!tpu.dma_semaphore, #tpu.memory_space<semaphore_mem>>) src(%arg14 : memref<128x128xf32, #tpu.memory_space<vmem>>) dst(%dma_wait3A_191 : memref<10240x128xf32, #tpu.memory_space<vmem_shared>>)
      } else {
      }
      %add3A_84 = arith.constant 2 : i32
      %add3A_85 = arith.addi %add3A_78, %add3A_84 : i32
      %dma_start3A_86 = arith.constant 0 : i32
      %dma_start3A_87 = tpu.memref_slice %arg3[%add3A, %add3A_85, %dma_start3A_86] : memref<32x80x128xi32, #tpu.memory_space<hbm>> -> memref<1x1x128xi32, #tpu.memory_space<hbm>>
      %dma_start3A_88 = tpu.memref_squeeze %dma_start3A_87 : memref<1x1x128xi32, #tpu.memory_space<hbm>> -> memref<128xi32, #tpu.memory_space<hbm>>
      %dma_start3A_89 = arith.constant 0 : i32
      %dma_start3A_90 = tpu.memref_slice %arg3[%add3A, %add3A_85, %dma_start3A_89] : memref<32x80x128xi32, #tpu.memory_space<hbm>> -> memref<1x1x128xi32, #tpu.memory_space<hbm>>
      %dma_start3A_91 = tpu.memref_squeeze %dma_start3A_90 : memref<1x1x128xi32, #tpu.memory_space<hbm>> -> memref<128xi32, #tpu.memory_space<hbm>>
      tpu.enqueue_dma source(%dma_start3A_91 : memref<128xi32, #tpu.memory_space<hbm>>) target(%arg12 : memref<128xi32, #tpu.memory_space<vmem>>) target_semaphore(%arg18 : memref<!tpu.dma_semaphore, #tpu.memory_space<semaphore_mem>>)
      %dma_wait3A_92 = arith.constant 0 : i32
      %dma_wait3A_93 = arith.constant 0 : i32
      %dma_wait3A_94 = tpu.memref_slice %arg3[%add3A, %dma_wait3A_92, %dma_wait3A_93] : memref<32x80x128xi32, #tpu.memory_space<hbm>> -> memref<1x1x128xi32, #tpu.memory_space<hbm>>
      %dma_wait3A_95 = tpu.memref_squeeze %dma_wait3A_94 : memref<1x1x128xi32, #tpu.memory_space<hbm>> -> memref<128xi32, #tpu.memory_space<hbm>>
      %dma_wait3A_96 = arith.constant 0 : i32
      %dma_wait3A_97 = tpu.memref_slice %arg3[%add3A, %dma_wait3A_92, %dma_wait3A_96] : memref<32x80x128xi32, #tpu.memory_space<hbm>> -> memref<1x1x128xi32, #tpu.memory_space<hbm>>
      %dma_wait3A_98 = tpu.memref_squeeze %dma_wait3A_97 : memref<1x1x128xi32, #tpu.memory_space<hbm>> -> memref<128xi32, #tpu.memory_space<hbm>>
      tpu.wait_dma2 semaphore(%arg16 : memref<!tpu.dma_semaphore, #tpu.memory_space<semaphore_mem>>) src(%dma_wait3A_98 : memref<128xi32, #tpu.memory_space<hbm>>) dst(%arg10 : memref<128xi32, #tpu.memory_space<vmem>>)
      %dma_start3A_99 = arith.constant 0 : i32
      %dma_start3A_100 = arith.constant 0 : i32
      %dma_start3A_101 = tpu.memref_slice %arg2[%dma_start3A_99, %dma_start3A_100] : memref<20000x128xf32, #tpu.memory_space<hbm>> -> memref<20000x128xf32, #tpu.memory_space<hbm>>
      tpu.enqueue_indirect_dma source(%dma_start3A_101 : memref<20000x128xf32, #tpu.memory_space<hbm>>) target(%arg14 : memref<128x128xf32, #tpu.memory_space<vmem>>) offsets(%arg10 : memref<128xi32, #tpu.memory_space<vmem>>) semaphore(%arg20 : memref<!tpu.dma_semaphore, #tpu.memory_space<semaphore_mem>>)
      %dma_wait3A_102 = arith.constant 0 : i32
      %dma_wait3A_103 = arith.constant 0 : i32
      %dma_wait3A_104 = tpu.memref_slice %arg2[%dma_wait3A_102, %dma_wait3A_103] : memref<20000x128xf32, #tpu.memory_space<hbm>> -> memref<20000x128xf32, #tpu.memory_space<hbm>>
      tpu.wait_indirect_dma semaphore(%arg19 : memref<!tpu.dma_semaphore, #tpu.memory_space<semaphore_mem>>) src(%dma_wait3A_104 : memref<20000x128xf32, #tpu.memory_space<hbm>>) dst(%arg13 : memref<128x128xf32, #tpu.memory_space<vmem>>)
      %sub3A = arith.constant 1 : i32
      %sub3A_105 = arith.subi %add3A_78, %sub3A : i32
      %dma_start3A_106 = arith.constant 0 : i32
      %dma_start3A_107 = tpu.memref_slice %arg8[%sub3A_105, %dma_start3A_106] : memref<80x128xi32, #tpu.memory_space<vmem>> -> memref<1x128xi32, #tpu.memory_space<vmem>>
      %dma_start3A_108 = tpu.memref_squeeze %dma_start3A_107 : memref<1x128xi32, #tpu.memory_space<vmem>> -> memref<128xi32, #tpu.memory_space<vmem>>
      %dma_start3A_109 = arith.constant 0 : i32
      %dma_start3A_110 = arith.constant 0 : i32
      %dma_start3A_111 = tpu.memref_slice %arg7[%dma_start3A_109, %dma_start3A_110] : memref<10240x128xf32, #tpu.memory_space<vmem_shared>> -> memref<10240x128xf32, #tpu.memory_space<vmem_shared>>
      tpu.enqueue_indirect_dma source(%arg13 : memref<128x128xf32, #tpu.memory_space<vmem>>) target(%dma_start3A_111 : memref<10240x128xf32, #tpu.memory_space<vmem_shared>>) offsets(%dma_start3A_108 : memref<128xi32, #tpu.memory_space<vmem>>) semaphore(%arg21 : memref<!tpu.dma_semaphore, #tpu.memory_space<semaphore_mem>>) {add = true}
      %mul3A_112 = arith.constant 4 : i32
      %mul3A_113 = arith.muli %scan3A_45, %mul3A_112 : i32
      %add3A_114 = arith.constant 2 : i32
      %add3A_115 = arith.addi %mul3A_113, %add3A_114 : i32
      %dma_wait3A_116 = arith.constant 0 : i32
      %dma_wait3A_117 = arith.constant 0 : i32
      %dma_wait3A_118 = tpu.memref_slice %arg8[%dma_wait3A_116, %dma_wait3A_117] : memref<80x128xi32, #tpu.memory_space<vmem>> -> memref<1x128xi32, #tpu.memory_space<vmem>>
      %dma_wait3A_119 = tpu.memref_squeeze %dma_wait3A_118 : memref<1x128xi32, #tpu.memory_space<vmem>> -> memref<128xi32, #tpu.memory_space<vmem>>
      %dma_wait3A_120 = arith.constant 0 : i32
      %dma_wait3A_121 = arith.constant 0 : i32
      %dma_wait3A_122 = tpu.memref_slice %arg7[%dma_wait3A_120, %dma_wait3A_121] : memref<10240x128xf32, #tpu.memory_space<vmem_shared>> -> memref<10240x128xf32, #tpu.memory_space<vmem_shared>>
      tpu.wait_indirect_dma semaphore(%arg21 : memref<!tpu.dma_semaphore, #tpu.memory_space<semaphore_mem>>) src(%arg13 : memref<128x128xf32, #tpu.memory_space<vmem>>) dst(%dma_wait3A_122 : memref<10240x128xf32, #tpu.memory_space<vmem_shared>>)
      %lt3A = arith.constant 19 : i32
      %lt3A_123 = arith.cmpi slt, %scan3A_45, %lt3A : i32
      %convert_element_type3A_124 = arith.extui %lt3A_123 : i1 to i32
      %cond3A_125 = arith.constant 0 : i32
      %cond3A_126 = arith.cmpi ne, %convert_element_type3A_124, %cond3A_125 : i32
      scf.if %cond3A_126 {
        %add3A_185 = arith.constant 2 : i32
        %add3A_186 = arith.addi %add3A_115, %add3A_185 : i32
        %dma_start3A_187 = arith.constant 0 : i32
        %dma_start3A_188 = tpu.memref_slice %arg3[%add3A, %add3A_186, %dma_start3A_187] : memref<32x80x128xi32, #tpu.memory_space<hbm>> -> memref<1x1x128xi32, #tpu.memory_space<hbm>>
        %dma_start3A_189 = tpu.memref_squeeze %dma_start3A_188 : memref<1x1x128xi32, #tpu.memory_space<hbm>> -> memref<128xi32, #tpu.memory_space<hbm>>
        %dma_start3A_190 = arith.constant 0 : i32
        %dma_start3A_191 = tpu.memref_slice %arg3[%add3A, %add3A_186, %dma_start3A_190] : memref<32x80x128xi32, #tpu.memory_space<hbm>> -> memref<1x1x128xi32, #tpu.memory_space<hbm>>
        %dma_start3A_192 = tpu.memref_squeeze %dma_start3A_191 : memref<1x1x128xi32, #tpu.memory_space<hbm>> -> memref<128xi32, #tpu.memory_space<hbm>>
        tpu.enqueue_dma source(%dma_start3A_192 : memref<128xi32, #tpu.memory_space<hbm>>) target(%arg9 : memref<128xi32, #tpu.memory_space<vmem>>) target_semaphore(%arg15 : memref<!tpu.dma_semaphore, #tpu.memory_space<semaphore_mem>>)
      } else {
      }
      %dma_wait3A_127 = arith.constant 0 : i32
      %dma_wait3A_128 = arith.constant 0 : i32
      %dma_wait3A_129 = tpu.memref_slice %arg3[%add3A, %dma_wait3A_127, %dma_wait3A_128] : memref<32x80x128xi32, #tpu.memory_space<hbm>> -> memref<1x1x128xi32, #tpu.memory_space<hbm>>
      %dma_wait3A_130 = tpu.memref_squeeze %dma_wait3A_129 : memref<1x1x128xi32, #tpu.memory_space<hbm>> -> memref<128xi32, #tpu.memory_space<hbm>>
      %dma_wait3A_131 = arith.constant 0 : i32
      %dma_wait3A_132 = tpu.memref_slice %arg3[%add3A, %dma_wait3A_127, %dma_wait3A_131] : memref<32x80x128xi32, #tpu.memory_space<hbm>> -> memref<1x1x128xi32, #tpu.memory_space<hbm>>
      %dma_wait3A_133 = tpu.memref_squeeze %dma_wait3A_132 : memref<1x1x128xi32, #tpu.memory_space<hbm>> -> memref<128xi32, #tpu.memory_space<hbm>>
      tpu.wait_dma2 semaphore(%arg17 : memref<!tpu.dma_semaphore, #tpu.memory_space<semaphore_mem>>) src(%dma_wait3A_133 : memref<128xi32, #tpu.memory_space<hbm>>) dst(%arg11 : memref<128xi32, #tpu.memory_space<vmem>>)
      %dma_start3A_134 = arith.constant 0 : i32
      %dma_start3A_135 = arith.constant 0 : i32
      %dma_start3A_136 = tpu.memref_slice %arg2[%dma_start3A_134, %dma_start3A_135] : memref<20000x128xf32, #tpu.memory_space<hbm>> -> memref<20000x128xf32, #tpu.memory_space<hbm>>
      tpu.enqueue_indirect_dma source(%dma_start3A_136 : memref<20000x128xf32, #tpu.memory_space<hbm>>) target(%arg13 : memref<128x128xf32, #tpu.memory_space<vmem>>) offsets(%arg11 : memref<128xi32, #tpu.memory_space<vmem>>) semaphore(%arg19 : memref<!tpu.dma_semaphore, #tpu.memory_space<semaphore_mem>>)
      %dma_wait3A_137 = arith.constant 0 : i32
      %dma_wait3A_138 = arith.constant 0 : i32
      %dma_wait3A_139 = tpu.memref_slice %arg2[%dma_wait3A_137, %dma_wait3A_138] : memref<20000x128xf32, #tpu.memory_space<hbm>> -> memref<20000x128xf32, #tpu.memory_space<hbm>>
      tpu.wait_indirect_dma semaphore(%arg20 : memref<!tpu.dma_semaphore, #tpu.memory_space<semaphore_mem>>) src(%dma_wait3A_139 : memref<20000x128xf32, #tpu.memory_space<hbm>>) dst(%arg14 : memref<128x128xf32, #tpu.memory_space<vmem>>)
      %sub3A_140 = arith.constant 1 : i32
      %sub3A_141 = arith.subi %add3A_115, %sub3A_140 : i32
      %dma_start3A_142 = arith.constant 0 : i32
      %dma_start3A_143 = tpu.memref_slice %arg8[%sub3A_141, %dma_start3A_142] : memref<80x128xi32, #tpu.memory_space<vmem>> -> memref<1x128xi32, #tpu.memory_space<vmem>>
      %dma_start3A_144 = tpu.memref_squeeze %dma_start3A_143 : memref<1x128xi32, #tpu.memory_space<vmem>> -> memref<128xi32, #tpu.memory_space<vmem>>
      %dma_start3A_145 = arith.constant 0 : i32
      %dma_start3A_146 = arith.constant 0 : i32
      %dma_start3A_147 = tpu.memref_slice %arg7[%dma_start3A_145, %dma_start3A_146] : memref<10240x128xf32, #tpu.memory_space<vmem_shared>> -> memref<10240x128xf32, #tpu.memory_space<vmem_shared>>
      tpu.enqueue_indirect_dma source(%arg14 : memref<128x128xf32, #tpu.memory_space<vmem>>) target(%dma_start3A_147 : memref<10240x128xf32, #tpu.memory_space<vmem_shared>>) offsets(%dma_start3A_144 : memref<128xi32, #tpu.memory_space<vmem>>) semaphore(%arg22 : memref<!tpu.dma_semaphore, #tpu.memory_space<semaphore_mem>>) {add = true}
      %mul3A_148 = arith.constant 4 : i32
      %mul3A_149 = arith.muli %scan3A_45, %mul3A_148 : i32
      %add3A_150 = arith.constant 3 : i32
      %add3A_151 = arith.addi %mul3A_149, %add3A_150 : i32
      %dma_wait3A_152 = arith.constant 0 : i32
      %dma_wait3A_153 = arith.constant 0 : i32
      %dma_wait3A_154 = tpu.memref_slice %arg8[%dma_wait3A_152, %dma_wait3A_153] : memref<80x128xi32, #tpu.memory_space<vmem>> -> memref<1x128xi32, #tpu.memory_space<vmem>>
      %dma_wait3A_155 = tpu.memref_squeeze %dma_wait3A_154 : memref<1x128xi32, #tpu.memory_space<vmem>> -> memref<128xi32, #tpu.memory_space<vmem>>
      %dma_wait3A_156 = arith.constant 0 : i32
      %dma_wait3A_157 = arith.constant 0 : i32
      %dma_wait3A_158 = tpu.memref_slice %arg7[%dma_wait3A_156, %dma_wait3A_157] : memref<10240x128xf32, #tpu.memory_space<vmem_shared>> -> memref<10240x128xf32, #tpu.memory_space<vmem_shared>>
      tpu.wait_indirect_dma semaphore(%arg22 : memref<!tpu.dma_semaphore, #tpu.memory_space<semaphore_mem>>) src(%arg14 : memref<128x128xf32, #tpu.memory_space<vmem>>) dst(%dma_wait3A_158 : memref<10240x128xf32, #tpu.memory_space<vmem_shared>>)
      %lt3A_159 = arith.constant 19 : i32
      %lt3A_160 = arith.cmpi slt, %scan3A_45, %lt3A_159 : i32
      %convert_element_type3A_161 = arith.extui %lt3A_160 : i1 to i32
      %cond3A_162 = arith.constant 0 : i32
      %cond3A_163 = arith.cmpi ne, %convert_element_type3A_161, %cond3A_162 : i32
      scf.if %cond3A_163 {
        %add3A_185 = arith.constant 2 : i32
        %add3A_186 = arith.addi %add3A_151, %add3A_185 : i32
        %dma_start3A_187 = arith.constant 0 : i32
        %dma_start3A_188 = tpu.memref_slice %arg3[%add3A, %add3A_186, %dma_start3A_187] : memref<32x80x128xi32, #tpu.memory_space<hbm>> -> memref<1x1x128xi32, #tpu.memory_space<hbm>>
        %dma_start3A_189 = tpu.memref_squeeze %dma_start3A_188 : memref<1x1x128xi32, #tpu.memory_space<hbm>> -> memref<128xi32, #tpu.memory_space<hbm>>
        %dma_start3A_190 = arith.constant 0 : i32
        %dma_start3A_191 = tpu.memref_slice %arg3[%add3A, %add3A_186, %dma_start3A_190] : memref<32x80x128xi32, #tpu.memory_space<hbm>> -> memref<1x1x128xi32, #tpu.memory_space<hbm>>
        %dma_start3A_192 = tpu.memref_squeeze %dma_start3A_191 : memref<1x1x128xi32, #tpu.memory_space<hbm>> -> memref<128xi32, #tpu.memory_space<hbm>>
        tpu.enqueue_dma source(%dma_start3A_192 : memref<128xi32, #tpu.memory_space<hbm>>) target(%arg10 : memref<128xi32, #tpu.memory_space<vmem>>) target_semaphore(%arg16 : memref<!tpu.dma_semaphore, #tpu.memory_space<semaphore_mem>>)
      } else {
      }
      %dma_wait3A_164 = arith.constant 0 : i32
      %dma_wait3A_165 = arith.constant 0 : i32
      %dma_wait3A_166 = tpu.memref_slice %arg3[%add3A, %dma_wait3A_164, %dma_wait3A_165] : memref<32x80x128xi32, #tpu.memory_space<hbm>> -> memref<1x1x128xi32, #tpu.memory_space<hbm>>
      %dma_wait3A_167 = tpu.memref_squeeze %dma_wait3A_166 : memref<1x1x128xi32, #tpu.memory_space<hbm>> -> memref<128xi32, #tpu.memory_space<hbm>>
      %dma_wait3A_168 = arith.constant 0 : i32
      %dma_wait3A_169 = tpu.memref_slice %arg3[%add3A, %dma_wait3A_164, %dma_wait3A_168] : memref<32x80x128xi32, #tpu.memory_space<hbm>> -> memref<1x1x128xi32, #tpu.memory_space<hbm>>
      %dma_wait3A_170 = tpu.memref_squeeze %dma_wait3A_169 : memref<1x1x128xi32, #tpu.memory_space<hbm>> -> memref<128xi32, #tpu.memory_space<hbm>>
      tpu.wait_dma2 semaphore(%arg18 : memref<!tpu.dma_semaphore, #tpu.memory_space<semaphore_mem>>) src(%dma_wait3A_170 : memref<128xi32, #tpu.memory_space<hbm>>) dst(%arg12 : memref<128xi32, #tpu.memory_space<vmem>>)
      %dma_start3A_171 = arith.constant 0 : i32
      %dma_start3A_172 = arith.constant 0 : i32
      %dma_start3A_173 = tpu.memref_slice %arg2[%dma_start3A_171, %dma_start3A_172] : memref<20000x128xf32, #tpu.memory_space<hbm>> -> memref<20000x128xf32, #tpu.memory_space<hbm>>
      tpu.enqueue_indirect_dma source(%dma_start3A_173 : memref<20000x128xf32, #tpu.memory_space<hbm>>) target(%arg14 : memref<128x128xf32, #tpu.memory_space<vmem>>) offsets(%arg12 : memref<128xi32, #tpu.memory_space<vmem>>) semaphore(%arg20 : memref<!tpu.dma_semaphore, #tpu.memory_space<semaphore_mem>>)
      %dma_wait3A_174 = arith.constant 0 : i32
      %dma_wait3A_175 = arith.constant 0 : i32
      %dma_wait3A_176 = tpu.memref_slice %arg2[%dma_wait3A_174, %dma_wait3A_175] : memref<20000x128xf32, #tpu.memory_space<hbm>> -> memref<20000x128xf32, #tpu.memory_space<hbm>>
      tpu.wait_indirect_dma semaphore(%arg19 : memref<!tpu.dma_semaphore, #tpu.memory_space<semaphore_mem>>) src(%dma_wait3A_176 : memref<20000x128xf32, #tpu.memory_space<hbm>>) dst(%arg13 : memref<128x128xf32, #tpu.memory_space<vmem>>)
      %sub3A_177 = arith.constant 1 : i32
      %sub3A_178 = arith.subi %add3A_151, %sub3A_177 : i32
      %dma_start3A_179 = arith.constant 0 : i32
      %dma_start3A_180 = tpu.memref_slice %arg8[%sub3A_178, %dma_start3A_179] : memref<80x128xi32, #tpu.memory_space<vmem>> -> memref<1x128xi32, #tpu.memory_space<vmem>>
      %dma_start3A_181 = tpu.memref_squeeze %dma_start3A_180 : memref<1x128xi32, #tpu.memory_space<vmem>> -> memref<128xi32, #tpu.memory_space<vmem>>
      %dma_start3A_182 = arith.constant 0 : i32
      %dma_start3A_183 = arith.constant 0 : i32
      %dma_start3A_184 = tpu.memref_slice %arg7[%dma_start3A_182, %dma_start3A_183] : memref<10240x128xf32, #tpu.memory_space<vmem_shared>> -> memref<10240x128xf32, #tpu.memory_space<vmem_shared>>
      tpu.enqueue_indirect_dma source(%arg13 : memref<128x128xf32, #tpu.memory_space<vmem>>) target(%dma_start3A_184 : memref<10240x128xf32, #tpu.memory_space<vmem_shared>>) offsets(%dma_start3A_181 : memref<128xi32, #tpu.memory_space<vmem>>) semaphore(%arg21 : memref<!tpu.dma_semaphore, #tpu.memory_space<semaphore_mem>>) {add = true}
    }
    %scan3A_20 = arith.constant 20 : i32
    %dma_wait3A = arith.constant 0 : i32
    %dma_wait3A_21 = arith.constant 0 : i32
    %dma_wait3A_22 = tpu.memref_slice %arg2[%dma_wait3A, %dma_wait3A_21] : memref<20000x128xf32, #tpu.memory_space<hbm>> -> memref<20000x128xf32, #tpu.memory_space<hbm>>
    tpu.wait_indirect_dma semaphore(%arg20 : memref<!tpu.dma_semaphore, #tpu.memory_space<semaphore_mem>>) src(%dma_wait3A_22 : memref<20000x128xf32, #tpu.memory_space<hbm>>) dst(%arg14 : memref<128x128xf32, #tpu.memory_space<vmem>>)
    %dma_start3A_23 = arith.constant 79 : i32
    %dma_start3A_24 = arith.constant 0 : i32
    %dma_start3A_25 = tpu.memref_slice %arg8[%dma_start3A_23, %dma_start3A_24] : memref<80x128xi32, #tpu.memory_space<vmem>> -> memref<1x128xi32, #tpu.memory_space<vmem>>
    %dma_start3A_26 = tpu.memref_squeeze %dma_start3A_25 : memref<1x128xi32, #tpu.memory_space<vmem>> -> memref<128xi32, #tpu.memory_space<vmem>>
    %dma_start3A_27 = arith.constant 0 : i32
    %dma_start3A_28 = arith.constant 0 : i32
    %dma_start3A_29 = tpu.memref_slice %arg7[%dma_start3A_27, %dma_start3A_28] : memref<10240x128xf32, #tpu.memory_space<vmem_shared>> -> memref<10240x128xf32, #tpu.memory_space<vmem_shared>>
    tpu.enqueue_indirect_dma source(%arg14 : memref<128x128xf32, #tpu.memory_space<vmem>>) target(%dma_start3A_29 : memref<10240x128xf32, #tpu.memory_space<vmem_shared>>) offsets(%dma_start3A_26 : memref<128xi32, #tpu.memory_space<vmem>>) semaphore(%arg22 : memref<!tpu.dma_semaphore, #tpu.memory_space<semaphore_mem>>) {add = true}
    %dma_wait3A_30 = arith.constant 0 : i32
    %dma_wait3A_31 = arith.constant 0 : i32
    %dma_wait3A_32 = tpu.memref_slice %arg8[%dma_wait3A_30, %dma_wait3A_31] : memref<80x128xi32, #tpu.memory_space<vmem>> -> memref<1x128xi32, #tpu.memory_space<vmem>>
    %dma_wait3A_33 = tpu.memref_squeeze %dma_wait3A_32 : memref<1x128xi32, #tpu.memory_space<vmem>> -> memref<128xi32, #tpu.memory_space<vmem>>
    %dma_wait3A_34 = arith.constant 0 : i32
    %dma_wait3A_35 = arith.constant 0 : i32
    %dma_wait3A_36 = tpu.memref_slice %arg7[%dma_wait3A_34, %dma_wait3A_35] : memref<10240x128xf32, #tpu.memory_space<vmem_shared>> -> memref<10240x128xf32, #tpu.memory_space<vmem_shared>>
    tpu.wait_indirect_dma semaphore(%arg21 : memref<!tpu.dma_semaphore, #tpu.memory_space<semaphore_mem>>) src(%arg13 : memref<128x128xf32, #tpu.memory_space<vmem>>) dst(%dma_wait3A_36 : memref<10240x128xf32, #tpu.memory_space<vmem_shared>>)
    %dma_wait3A_37 = arith.constant 0 : i32
    %dma_wait3A_38 = arith.constant 0 : i32
    %dma_wait3A_39 = tpu.memref_slice %arg8[%dma_wait3A_37, %dma_wait3A_38] : memref<80x128xi32, #tpu.memory_space<vmem>> -> memref<1x128xi32, #tpu.memory_space<vmem>>
    %dma_wait3A_40 = tpu.memref_squeeze %dma_wait3A_39 : memref<1x128xi32, #tpu.memory_space<vmem>> -> memref<128xi32, #tpu.memory_space<vmem>>
    %dma_wait3A_41 = arith.constant 0 : i32
    %dma_wait3A_42 = arith.constant 0 : i32
    %dma_wait3A_43 = tpu.memref_slice %arg7[%dma_wait3A_41, %dma_wait3A_42] : memref<10240x128xf32, #tpu.memory_space<vmem_shared>> -> memref<10240x128xf32, #tpu.memory_space<vmem_shared>>
    tpu.wait_indirect_dma semaphore(%arg22 : memref<!tpu.dma_semaphore, #tpu.memory_space<semaphore_mem>>) src(%arg14 : memref<128x128xf32, #tpu.memory_space<vmem>>) dst(%dma_wait3A_43 : memref<10240x128xf32, #tpu.memory_space<vmem_shared>>)
    %barrier3A_44 = arith.constant 0 : index
    tpu.barrier barrier_id(%barrier3A_44)
    "tpu.region"() ({
      %run_scoped3A = tpu.sem_alloc : memref<!tpu.dma_semaphore, #tpu.memory_space<semaphore_mem>>
      %dma_start3A_45 = arith.constant 0 : i32
      %dma_start3A_46 = tpu.memref_slice %arg6[%arg0, %mul3A_0, %dma_start3A_45] : memref<2x10240x128xf32, #tpu.memory_space<hbm>> -> memref<1x640x128xf32, #tpu.memory_space<hbm>>
      %dma_start3A_47 = tpu.memref_squeeze %dma_start3A_46 : memref<1x640x128xf32, #tpu.memory_space<hbm>> -> memref<640x128xf32, #tpu.memory_space<hbm>>
      %dma_start3A_48 = arith.constant 0 : i32
      %dma_start3A_49 = tpu.memref_slice %arg7[%mul3A_0, %dma_start3A_48] : memref<10240x128xf32, #tpu.memory_space<vmem_shared>> -> memref<640x128xf32, #tpu.memory_space<vmem_shared>>
      tpu.enqueue_dma source(%dma_start3A_49 : memref<640x128xf32, #tpu.memory_space<vmem_shared>>) target(%dma_start3A_47 : memref<640x128xf32, #tpu.memory_space<hbm>>) target_semaphore(%run_scoped3A : memref<!tpu.dma_semaphore, #tpu.memory_space<semaphore_mem>>)
      %dma_wait3A_50 = arith.constant 0 : i32
      %dma_wait3A_51 = tpu.memref_slice %arg6[%arg0, %mul3A_0, %dma_wait3A_50] : memref<2x10240x128xf32, #tpu.memory_space<hbm>> -> memref<1x640x128xf32, #tpu.memory_space<hbm>>
      %dma_wait3A_52 = tpu.memref_squeeze %dma_wait3A_51 : memref<1x640x128xf32, #tpu.memory_space<hbm>> -> memref<640x128xf32, #tpu.memory_space<hbm>>
      %dma_wait3A_53 = arith.constant 0 : i32
      %dma_wait3A_54 = tpu.memref_slice %arg7[%mul3A_0, %dma_wait3A_53] : memref<10240x128xf32, #tpu.memory_space<vmem_shared>> -> memref<640x128xf32, #tpu.memory_space<vmem_shared>>
      tpu.wait_dma2 semaphore(%run_scoped3A : memref<!tpu.dma_semaphore, #tpu.memory_space<semaphore_mem>>) src(%dma_wait3A_54 : memref<640x128xf32, #tpu.memory_space<vmem_shared>>) dst(%dma_wait3A_52 : memref<640x128xf32, #tpu.memory_space<hbm>>)
      tpu.yield
    }) : () -> ()
    return
  }
}

#map = affine_map<(d0, d1) -> (0, 0, 0)>
#map1 = affine_map<(d0, d1) -> (0, 0)>
module attributes {stable_mosaic.version = 14 : i64} {
  func.func @_sc_degrees_body(%arg0: i32, %arg1: i32, %arg2: memref<32x80x128xi32, #tpu.memory_space<hbm>>, %arg3: memref<128x128xf32, #tpu.memory_space<hbm>>, %arg4: memref<10240x128xf32, #tpu.memory_space<hbm>>, %arg5: memref<2x10240x128xf32, #tpu.memory_space<hbm>>, %arg6: memref<10240x128xf32, #tpu.memory_space<vmem_shared>>, %arg7: memref<80x128xi32, #tpu.memory_space<vmem>>, %arg8: memref<128x128xf32, #tpu.memory_space<vmem>>, %arg9: memref<!tpu.dma_semaphore, #tpu.memory_space<semaphore_mem>>, %arg10: memref<!tpu.dma_semaphore, #tpu.memory_space<semaphore_mem>>, %arg11: memref<!tpu.dma_semaphore, #tpu.memory_space<semaphore_mem>>, %arg12: memref<!tpu.dma_semaphore, #tpu.memory_space<semaphore_mem>>) attributes {dimension_semantics = [#tpu.dimension_semantics<core_parallel>, #tpu.dimension_semantics<subcore_parallel>], iteration_bounds = array<i64: 2, 16>, scalar_prefetch = 0 : i64, scratch_operands = 7 : i64, tpu.core_type = #tpu.core_type<sc_vector_subcore>, window_params = [{transform_indices = #map}, {transform_indices = #map1}, {transform_indices = #map1}, {transform_indices = #map}]} {
    %mul3A = arith.constant 640 : i32
    %mul3A_0 = arith.muli %arg1, %mul3A : i32
    "tpu.region"() ({
      %run_scoped3A = tpu.sem_alloc : memref<!tpu.dma_semaphore, #tpu.memory_space<semaphore_mem>>
      tpu.enqueue_dma source(%arg3 : memref<128x128xf32, #tpu.memory_space<hbm>>) target(%arg8 : memref<128x128xf32, #tpu.memory_space<vmem>>) target_semaphore(%run_scoped3A : memref<!tpu.dma_semaphore, #tpu.memory_space<semaphore_mem>>)
      tpu.wait_dma2 semaphore(%run_scoped3A : memref<!tpu.dma_semaphore, #tpu.memory_space<semaphore_mem>>) src(%arg3 : memref<128x128xf32, #tpu.memory_space<hbm>>) dst(%arg8 : memref<128x128xf32, #tpu.memory_space<vmem>>)
      tpu.yield
    }) : () -> ()
    %mul3A_1 = arith.constant 16 : i32
    %mul3A_2 = arith.muli %arg0, %mul3A_1 : i32
    %add3A = arith.addi %mul3A_2, %arg1 : i32
    "tpu.region"() ({
      %run_scoped3A = tpu.sem_alloc : memref<!tpu.dma_semaphore, #tpu.memory_space<semaphore_mem>>
      %dma_start3A = arith.constant 0 : i32
      %dma_start3A_36 = arith.constant 0 : i32
      %dma_start3A_37 = tpu.memref_slice %arg2[%add3A, %dma_start3A, %dma_start3A_36] : memref<32x80x128xi32, #tpu.memory_space<hbm>> -> memref<1x80x128xi32, #tpu.memory_space<hbm>>
      %dma_start3A_38 = tpu.memref_squeeze %dma_start3A_37 : memref<1x80x128xi32, #tpu.memory_space<hbm>> -> memref<80x128xi32, #tpu.memory_space<hbm>>
      %dma_start3A_39 = arith.constant 0 : i32
      %dma_start3A_40 = arith.constant 0 : i32
      %dma_start3A_41 = tpu.memref_slice %arg2[%add3A, %dma_start3A_39, %dma_start3A_40] : memref<32x80x128xi32, #tpu.memory_space<hbm>> -> memref<1x80x128xi32, #tpu.memory_space<hbm>>
      %dma_start3A_42 = tpu.memref_squeeze %dma_start3A_41 : memref<1x80x128xi32, #tpu.memory_space<hbm>> -> memref<80x128xi32, #tpu.memory_space<hbm>>
      tpu.enqueue_dma source(%dma_start3A_42 : memref<80x128xi32, #tpu.memory_space<hbm>>) target(%arg7 : memref<80x128xi32, #tpu.memory_space<vmem>>) target_semaphore(%run_scoped3A : memref<!tpu.dma_semaphore, #tpu.memory_space<semaphore_mem>>)
      %dma_wait3A_43 = arith.constant 0 : i32
      %dma_wait3A_44 = arith.constant 0 : i32
      %dma_wait3A_45 = tpu.memref_slice %arg2[%add3A, %dma_wait3A_43, %dma_wait3A_44] : memref<32x80x128xi32, #tpu.memory_space<hbm>> -> memref<1x80x128xi32, #tpu.memory_space<hbm>>
      %dma_wait3A_46 = tpu.memref_squeeze %dma_wait3A_45 : memref<1x80x128xi32, #tpu.memory_space<hbm>> -> memref<80x128xi32, #tpu.memory_space<hbm>>
      %dma_wait3A_47 = arith.constant 0 : i32
      %dma_wait3A_48 = arith.constant 0 : i32
      %dma_wait3A_49 = tpu.memref_slice %arg2[%add3A, %dma_wait3A_47, %dma_wait3A_48] : memref<32x80x128xi32, #tpu.memory_space<hbm>> -> memref<1x80x128xi32, #tpu.memory_space<hbm>>
      %dma_wait3A_50 = tpu.memref_squeeze %dma_wait3A_49 : memref<1x80x128xi32, #tpu.memory_space<hbm>> -> memref<80x128xi32, #tpu.memory_space<hbm>>
      tpu.wait_dma2 semaphore(%run_scoped3A : memref<!tpu.dma_semaphore, #tpu.memory_space<semaphore_mem>>) src(%dma_wait3A_50 : memref<80x128xi32, #tpu.memory_space<hbm>>) dst(%arg7 : memref<80x128xi32, #tpu.memory_space<vmem>>)
      tpu.yield
    }) : () -> ()
    "tpu.region"() ({
      %run_scoped3A = tpu.sem_alloc : memref<!tpu.dma_semaphore, #tpu.memory_space<semaphore_mem>>
      %dma_start3A = arith.constant 0 : i32
      %dma_start3A_36 = tpu.memref_slice %arg6[%mul3A_0, %dma_start3A] : memref<10240x128xf32, #tpu.memory_space<vmem_shared>> -> memref<640x128xf32, #tpu.memory_space<vmem_shared>>
      %dma_start3A_37 = arith.constant 0 : i32
      %dma_start3A_38 = tpu.memref_slice %arg4[%mul3A_0, %dma_start3A_37] : memref<10240x128xf32, #tpu.memory_space<hbm>> -> memref<640x128xf32, #tpu.memory_space<hbm>>
      tpu.enqueue_dma source(%dma_start3A_38 : memref<640x128xf32, #tpu.memory_space<hbm>>) target(%dma_start3A_36 : memref<640x128xf32, #tpu.memory_space<vmem_shared>>) target_semaphore(%run_scoped3A : memref<!tpu.dma_semaphore, #tpu.memory_space<semaphore_mem>>)
      %dma_wait3A_39 = arith.constant 0 : i32
      %dma_wait3A_40 = tpu.memref_slice %arg6[%mul3A_0, %dma_wait3A_39] : memref<10240x128xf32, #tpu.memory_space<vmem_shared>> -> memref<640x128xf32, #tpu.memory_space<vmem_shared>>
      %dma_wait3A_41 = arith.constant 0 : i32
      %dma_wait3A_42 = tpu.memref_slice %arg4[%mul3A_0, %dma_wait3A_41] : memref<10240x128xf32, #tpu.memory_space<hbm>> -> memref<640x128xf32, #tpu.memory_space<hbm>>
      tpu.wait_dma2 semaphore(%run_scoped3A : memref<!tpu.dma_semaphore, #tpu.memory_space<semaphore_mem>>) src(%dma_wait3A_42 : memref<640x128xf32, #tpu.memory_space<hbm>>) dst(%dma_wait3A_40 : memref<640x128xf32, #tpu.memory_space<vmem_shared>>)
      tpu.yield
    }) : () -> ()
    %barrier3A = arith.constant 0 : index
    tpu.barrier barrier_id(%barrier3A)
    %scan3A = arith.constant 0 : i32
    %scan3A_3 = arith.constant 0 : i32
    %scan3A_4 = arith.constant 20 : i32
    %scan3A_5 = arith.addi %scan3A_3, %scan3A_4 : i32
    %scan3A_6 = arith.constant 1 : i32
    scf.for %scan3A_36 = %scan3A_3 to %scan3A_5 step %scan3A_6  : i32 {
      %mul3A_37 = arith.constant 4 : i32
      %mul3A_38 = arith.muli %scan3A_36, %mul3A_37 : i32
      %add3A_39 = arith.constant 0 : i32
      %add3A_40 = arith.addi %mul3A_38, %add3A_39 : i32
      %gt3A = arith.constant 0 : i32
      %gt3A_41 = arith.cmpi sgt, %scan3A_36, %gt3A : i32
      %convert_element_type3A = arith.extui %gt3A_41 : i1 to i32
      %cond3A = arith.constant 0 : i32
      %cond3A_42 = arith.cmpi ne, %convert_element_type3A, %cond3A : i32
      scf.if %cond3A_42 {
        %dma_wait3A_93 = arith.constant 0 : i32
        %dma_wait3A_94 = arith.constant 0 : i32
        %dma_wait3A_95 = tpu.memref_slice %arg7[%dma_wait3A_93, %dma_wait3A_94] : memref<80x128xi32, #tpu.memory_space<vmem>> -> memref<1x128xi32, #tpu.memory_space<vmem>>
        %dma_wait3A_96 = tpu.memref_squeeze %dma_wait3A_95 : memref<1x128xi32, #tpu.memory_space<vmem>> -> memref<128xi32, #tpu.memory_space<vmem>>
        %dma_wait3A_97 = arith.constant 0 : i32
        %dma_wait3A_98 = arith.constant 0 : i32
        %dma_wait3A_99 = tpu.memref_slice %arg6[%dma_wait3A_97, %dma_wait3A_98] : memref<10240x128xf32, #tpu.memory_space<vmem_shared>> -> memref<10240x128xf32, #tpu.memory_space<vmem_shared>>
        tpu.wait_indirect_dma semaphore(%arg9 : memref<!tpu.dma_semaphore, #tpu.memory_space<semaphore_mem>>) src(%arg8 : memref<128x128xf32, #tpu.memory_space<vmem>>) dst(%dma_wait3A_99 : memref<10240x128xf32, #tpu.memory_space<vmem_shared>>)
      } else {
      }
      %dma_start3A = arith.constant 0 : i32
      %dma_start3A_43 = tpu.memref_slice %arg7[%add3A_40, %dma_start3A] : memref<80x128xi32, #tpu.memory_space<vmem>> -> memref<1x128xi32, #tpu.memory_space<vmem>>
      %dma_start3A_44 = tpu.memref_squeeze %dma_start3A_43 : memref<1x128xi32, #tpu.memory_space<vmem>> -> memref<128xi32, #tpu.memory_space<vmem>>
      %dma_start3A_45 = arith.constant 0 : i32
      %dma_start3A_46 = arith.constant 0 : i32
      %dma_start3A_47 = tpu.memref_slice %arg6[%dma_start3A_45, %dma_start3A_46] : memref<10240x128xf32, #tpu.memory_space<vmem_shared>> -> memref<10240x128xf32, #tpu.memory_space<vmem_shared>>
      tpu.enqueue_indirect_dma source(%arg8 : memref<128x128xf32, #tpu.memory_space<vmem>>) target(%dma_start3A_47 : memref<10240x128xf32, #tpu.memory_space<vmem_shared>>) offsets(%dma_start3A_44 : memref<128xi32, #tpu.memory_space<vmem>>) semaphore(%arg9 : memref<!tpu.dma_semaphore, #tpu.memory_space<semaphore_mem>>) {add = true}
      %mul3A_48 = arith.constant 4 : i32
      %mul3A_49 = arith.muli %scan3A_36, %mul3A_48 : i32
      %add3A_50 = arith.constant 1 : i32
      %add3A_51 = arith.addi %mul3A_49, %add3A_50 : i32
      %gt3A_52 = arith.constant 0 : i32
      %gt3A_53 = arith.cmpi sgt, %scan3A_36, %gt3A_52 : i32
      %convert_element_type3A_54 = arith.extui %gt3A_53 : i1 to i32
      %cond3A_55 = arith.constant 0 : i32
      %cond3A_56 = arith.cmpi ne, %convert_element_type3A_54, %cond3A_55 : i32
      scf.if %cond3A_56 {
        %dma_wait3A_93 = arith.constant 0 : i32
        %dma_wait3A_94 = arith.constant 0 : i32
        %dma_wait3A_95 = tpu.memref_slice %arg7[%dma_wait3A_93, %dma_wait3A_94] : memref<80x128xi32, #tpu.memory_space<vmem>> -> memref<1x128xi32, #tpu.memory_space<vmem>>
        %dma_wait3A_96 = tpu.memref_squeeze %dma_wait3A_95 : memref<1x128xi32, #tpu.memory_space<vmem>> -> memref<128xi32, #tpu.memory_space<vmem>>
        %dma_wait3A_97 = arith.constant 0 : i32
        %dma_wait3A_98 = arith.constant 0 : i32
        %dma_wait3A_99 = tpu.memref_slice %arg6[%dma_wait3A_97, %dma_wait3A_98] : memref<10240x128xf32, #tpu.memory_space<vmem_shared>> -> memref<10240x128xf32, #tpu.memory_space<vmem_shared>>
        tpu.wait_indirect_dma semaphore(%arg10 : memref<!tpu.dma_semaphore, #tpu.memory_space<semaphore_mem>>) src(%arg8 : memref<128x128xf32, #tpu.memory_space<vmem>>) dst(%dma_wait3A_99 : memref<10240x128xf32, #tpu.memory_space<vmem_shared>>)
      } else {
      }
      %dma_start3A_57 = arith.constant 0 : i32
      %dma_start3A_58 = tpu.memref_slice %arg7[%add3A_51, %dma_start3A_57] : memref<80x128xi32, #tpu.memory_space<vmem>> -> memref<1x128xi32, #tpu.memory_space<vmem>>
      %dma_start3A_59 = tpu.memref_squeeze %dma_start3A_58 : memref<1x128xi32, #tpu.memory_space<vmem>> -> memref<128xi32, #tpu.memory_space<vmem>>
      %dma_start3A_60 = arith.constant 0 : i32
      %dma_start3A_61 = arith.constant 0 : i32
      %dma_start3A_62 = tpu.memref_slice %arg6[%dma_start3A_60, %dma_start3A_61] : memref<10240x128xf32, #tpu.memory_space<vmem_shared>> -> memref<10240x128xf32, #tpu.memory_space<vmem_shared>>
      tpu.enqueue_indirect_dma source(%arg8 : memref<128x128xf32, #tpu.memory_space<vmem>>) target(%dma_start3A_62 : memref<10240x128xf32, #tpu.memory_space<vmem_shared>>) offsets(%dma_start3A_59 : memref<128xi32, #tpu.memory_space<vmem>>) semaphore(%arg10 : memref<!tpu.dma_semaphore, #tpu.memory_space<semaphore_mem>>) {add = true}
      %mul3A_63 = arith.constant 4 : i32
      %mul3A_64 = arith.muli %scan3A_36, %mul3A_63 : i32
      %add3A_65 = arith.constant 2 : i32
      %add3A_66 = arith.addi %mul3A_64, %add3A_65 : i32
      %gt3A_67 = arith.constant 0 : i32
      %gt3A_68 = arith.cmpi sgt, %scan3A_36, %gt3A_67 : i32
      %convert_element_type3A_69 = arith.extui %gt3A_68 : i1 to i32
      %cond3A_70 = arith.constant 0 : i32
      %cond3A_71 = arith.cmpi ne, %convert_element_type3A_69, %cond3A_70 : i32
      scf.if %cond3A_71 {
        %dma_wait3A_93 = arith.constant 0 : i32
        %dma_wait3A_94 = arith.constant 0 : i32
        %dma_wait3A_95 = tpu.memref_slice %arg7[%dma_wait3A_93, %dma_wait3A_94] : memref<80x128xi32, #tpu.memory_space<vmem>> -> memref<1x128xi32, #tpu.memory_space<vmem>>
        %dma_wait3A_96 = tpu.memref_squeeze %dma_wait3A_95 : memref<1x128xi32, #tpu.memory_space<vmem>> -> memref<128xi32, #tpu.memory_space<vmem>>
        %dma_wait3A_97 = arith.constant 0 : i32
        %dma_wait3A_98 = arith.constant 0 : i32
        %dma_wait3A_99 = tpu.memref_slice %arg6[%dma_wait3A_97, %dma_wait3A_98] : memref<10240x128xf32, #tpu.memory_space<vmem_shared>> -> memref<10240x128xf32, #tpu.memory_space<vmem_shared>>
        tpu.wait_indirect_dma semaphore(%arg11 : memref<!tpu.dma_semaphore, #tpu.memory_space<semaphore_mem>>) src(%arg8 : memref<128x128xf32, #tpu.memory_space<vmem>>) dst(%dma_wait3A_99 : memref<10240x128xf32, #tpu.memory_space<vmem_shared>>)
      } else {
      }
      %dma_start3A_72 = arith.constant 0 : i32
      %dma_start3A_73 = tpu.memref_slice %arg7[%add3A_66, %dma_start3A_72] : memref<80x128xi32, #tpu.memory_space<vmem>> -> memref<1x128xi32, #tpu.memory_space<vmem>>
      %dma_start3A_74 = tpu.memref_squeeze %dma_start3A_73 : memref<1x128xi32, #tpu.memory_space<vmem>> -> memref<128xi32, #tpu.memory_space<vmem>>
      %dma_start3A_75 = arith.constant 0 : i32
      %dma_start3A_76 = arith.constant 0 : i32
      %dma_start3A_77 = tpu.memref_slice %arg6[%dma_start3A_75, %dma_start3A_76] : memref<10240x128xf32, #tpu.memory_space<vmem_shared>> -> memref<10240x128xf32, #tpu.memory_space<vmem_shared>>
      tpu.enqueue_indirect_dma source(%arg8 : memref<128x128xf32, #tpu.memory_space<vmem>>) target(%dma_start3A_77 : memref<10240x128xf32, #tpu.memory_space<vmem_shared>>) offsets(%dma_start3A_74 : memref<128xi32, #tpu.memory_space<vmem>>) semaphore(%arg11 : memref<!tpu.dma_semaphore, #tpu.memory_space<semaphore_mem>>) {add = true}
      %mul3A_78 = arith.constant 4 : i32
      %mul3A_79 = arith.muli %scan3A_36, %mul3A_78 : i32
      %add3A_80 = arith.constant 3 : i32
      %add3A_81 = arith.addi %mul3A_79, %add3A_80 : i32
      %gt3A_82 = arith.constant 0 : i32
      %gt3A_83 = arith.cmpi sgt, %scan3A_36, %gt3A_82 : i32
      %convert_element_type3A_84 = arith.extui %gt3A_83 : i1 to i32
      %cond3A_85 = arith.constant 0 : i32
      %cond3A_86 = arith.cmpi ne, %convert_element_type3A_84, %cond3A_85 : i32
      scf.if %cond3A_86 {
        %dma_wait3A_93 = arith.constant 0 : i32
        %dma_wait3A_94 = arith.constant 0 : i32
        %dma_wait3A_95 = tpu.memref_slice %arg7[%dma_wait3A_93, %dma_wait3A_94] : memref<80x128xi32, #tpu.memory_space<vmem>> -> memref<1x128xi32, #tpu.memory_space<vmem>>
        %dma_wait3A_96 = tpu.memref_squeeze %dma_wait3A_95 : memref<1x128xi32, #tpu.memory_space<vmem>> -> memref<128xi32, #tpu.memory_space<vmem>>
        %dma_wait3A_97 = arith.constant 0 : i32
        %dma_wait3A_98 = arith.constant 0 : i32
        %dma_wait3A_99 = tpu.memref_slice %arg6[%dma_wait3A_97, %dma_wait3A_98] : memref<10240x128xf32, #tpu.memory_space<vmem_shared>> -> memref<10240x128xf32, #tpu.memory_space<vmem_shared>>
        tpu.wait_indirect_dma semaphore(%arg12 : memref<!tpu.dma_semaphore, #tpu.memory_space<semaphore_mem>>) src(%arg8 : memref<128x128xf32, #tpu.memory_space<vmem>>) dst(%dma_wait3A_99 : memref<10240x128xf32, #tpu.memory_space<vmem_shared>>)
      } else {
      }
      %dma_start3A_87 = arith.constant 0 : i32
      %dma_start3A_88 = tpu.memref_slice %arg7[%add3A_81, %dma_start3A_87] : memref<80x128xi32, #tpu.memory_space<vmem>> -> memref<1x128xi32, #tpu.memory_space<vmem>>
      %dma_start3A_89 = tpu.memref_squeeze %dma_start3A_88 : memref<1x128xi32, #tpu.memory_space<vmem>> -> memref<128xi32, #tpu.memory_space<vmem>>
      %dma_start3A_90 = arith.constant 0 : i32
      %dma_start3A_91 = arith.constant 0 : i32
      %dma_start3A_92 = tpu.memref_slice %arg6[%dma_start3A_90, %dma_start3A_91] : memref<10240x128xf32, #tpu.memory_space<vmem_shared>> -> memref<10240x128xf32, #tpu.memory_space<vmem_shared>>
      tpu.enqueue_indirect_dma source(%arg8 : memref<128x128xf32, #tpu.memory_space<vmem>>) target(%dma_start3A_92 : memref<10240x128xf32, #tpu.memory_space<vmem_shared>>) offsets(%dma_start3A_89 : memref<128xi32, #tpu.memory_space<vmem>>) semaphore(%arg12 : memref<!tpu.dma_semaphore, #tpu.memory_space<semaphore_mem>>) {add = true}
    }
    %scan3A_7 = arith.constant 20 : i32
    %dma_wait3A = arith.constant 0 : i32
    %dma_wait3A_8 = arith.constant 0 : i32
    %dma_wait3A_9 = tpu.memref_slice %arg7[%dma_wait3A, %dma_wait3A_8] : memref<80x128xi32, #tpu.memory_space<vmem>> -> memref<1x128xi32, #tpu.memory_space<vmem>>
    %dma_wait3A_10 = tpu.memref_squeeze %dma_wait3A_9 : memref<1x128xi32, #tpu.memory_space<vmem>> -> memref<128xi32, #tpu.memory_space<vmem>>
    %dma_wait3A_11 = arith.constant 0 : i32
    %dma_wait3A_12 = arith.constant 0 : i32
    %dma_wait3A_13 = tpu.memref_slice %arg6[%dma_wait3A_11, %dma_wait3A_12] : memref<10240x128xf32, #tpu.memory_space<vmem_shared>> -> memref<10240x128xf32, #tpu.memory_space<vmem_shared>>
    tpu.wait_indirect_dma semaphore(%arg9 : memref<!tpu.dma_semaphore, #tpu.memory_space<semaphore_mem>>) src(%arg8 : memref<128x128xf32, #tpu.memory_space<vmem>>) dst(%dma_wait3A_13 : memref<10240x128xf32, #tpu.memory_space<vmem_shared>>)
    %dma_wait3A_14 = arith.constant 0 : i32
    %dma_wait3A_15 = arith.constant 0 : i32
    %dma_wait3A_16 = tpu.memref_slice %arg7[%dma_wait3A_14, %dma_wait3A_15] : memref<80x128xi32, #tpu.memory_space<vmem>> -> memref<1x128xi32, #tpu.memory_space<vmem>>
    %dma_wait3A_17 = tpu.memref_squeeze %dma_wait3A_16 : memref<1x128xi32, #tpu.memory_space<vmem>> -> memref<128xi32, #tpu.memory_space<vmem>>
    %dma_wait3A_18 = arith.constant 0 : i32
    %dma_wait3A_19 = arith.constant 0 : i32
    %dma_wait3A_20 = tpu.memref_slice %arg6[%dma_wait3A_18, %dma_wait3A_19] : memref<10240x128xf32, #tpu.memory_space<vmem_shared>> -> memref<10240x128xf32, #tpu.memory_space<vmem_shared>>
    tpu.wait_indirect_dma semaphore(%arg10 : memref<!tpu.dma_semaphore, #tpu.memory_space<semaphore_mem>>) src(%arg8 : memref<128x128xf32, #tpu.memory_space<vmem>>) dst(%dma_wait3A_20 : memref<10240x128xf32, #tpu.memory_space<vmem_shared>>)
    %dma_wait3A_21 = arith.constant 0 : i32
    %dma_wait3A_22 = arith.constant 0 : i32
    %dma_wait3A_23 = tpu.memref_slice %arg7[%dma_wait3A_21, %dma_wait3A_22] : memref<80x128xi32, #tpu.memory_space<vmem>> -> memref<1x128xi32, #tpu.memory_space<vmem>>
    %dma_wait3A_24 = tpu.memref_squeeze %dma_wait3A_23 : memref<1x128xi32, #tpu.memory_space<vmem>> -> memref<128xi32, #tpu.memory_space<vmem>>
    %dma_wait3A_25 = arith.constant 0 : i32
    %dma_wait3A_26 = arith.constant 0 : i32
    %dma_wait3A_27 = tpu.memref_slice %arg6[%dma_wait3A_25, %dma_wait3A_26] : memref<10240x128xf32, #tpu.memory_space<vmem_shared>> -> memref<10240x128xf32, #tpu.memory_space<vmem_shared>>
    tpu.wait_indirect_dma semaphore(%arg11 : memref<!tpu.dma_semaphore, #tpu.memory_space<semaphore_mem>>) src(%arg8 : memref<128x128xf32, #tpu.memory_space<vmem>>) dst(%dma_wait3A_27 : memref<10240x128xf32, #tpu.memory_space<vmem_shared>>)
    %dma_wait3A_28 = arith.constant 0 : i32
    %dma_wait3A_29 = arith.constant 0 : i32
    %dma_wait3A_30 = tpu.memref_slice %arg7[%dma_wait3A_28, %dma_wait3A_29] : memref<80x128xi32, #tpu.memory_space<vmem>> -> memref<1x128xi32, #tpu.memory_space<vmem>>
    %dma_wait3A_31 = tpu.memref_squeeze %dma_wait3A_30 : memref<1x128xi32, #tpu.memory_space<vmem>> -> memref<128xi32, #tpu.memory_space<vmem>>
    %dma_wait3A_32 = arith.constant 0 : i32
    %dma_wait3A_33 = arith.constant 0 : i32
    %dma_wait3A_34 = tpu.memref_slice %arg6[%dma_wait3A_32, %dma_wait3A_33] : memref<10240x128xf32, #tpu.memory_space<vmem_shared>> -> memref<10240x128xf32, #tpu.memory_space<vmem_shared>>
    tpu.wait_indirect_dma semaphore(%arg12 : memref<!tpu.dma_semaphore, #tpu.memory_space<semaphore_mem>>) src(%arg8 : memref<128x128xf32, #tpu.memory_space<vmem>>) dst(%dma_wait3A_34 : memref<10240x128xf32, #tpu.memory_space<vmem_shared>>)
    %barrier3A_35 = arith.constant 0 : index
    tpu.barrier barrier_id(%barrier3A_35)
    "tpu.region"() ({
      %run_scoped3A = tpu.sem_alloc : memref<!tpu.dma_semaphore, #tpu.memory_space<semaphore_mem>>
      %dma_start3A = arith.constant 0 : i32
      %dma_start3A_36 = tpu.memref_slice %arg5[%arg0, %mul3A_0, %dma_start3A] : memref<2x10240x128xf32, #tpu.memory_space<hbm>> -> memref<1x640x128xf32, #tpu.memory_space<hbm>>
      %dma_start3A_37 = tpu.memref_squeeze %dma_start3A_36 : memref<1x640x128xf32, #tpu.memory_space<hbm>> -> memref<640x128xf32, #tpu.memory_space<hbm>>
      %dma_start3A_38 = arith.constant 0 : i32
      %dma_start3A_39 = tpu.memref_slice %arg6[%mul3A_0, %dma_start3A_38] : memref<10240x128xf32, #tpu.memory_space<vmem_shared>> -> memref<640x128xf32, #tpu.memory_space<vmem_shared>>
      tpu.enqueue_dma source(%dma_start3A_39 : memref<640x128xf32, #tpu.memory_space<vmem_shared>>) target(%dma_start3A_37 : memref<640x128xf32, #tpu.memory_space<hbm>>) target_semaphore(%run_scoped3A : memref<!tpu.dma_semaphore, #tpu.memory_space<semaphore_mem>>)
      %dma_wait3A_40 = arith.constant 0 : i32
      %dma_wait3A_41 = tpu.memref_slice %arg5[%arg0, %mul3A_0, %dma_wait3A_40] : memref<2x10240x128xf32, #tpu.memory_space<hbm>> -> memref<1x640x128xf32, #tpu.memory_space<hbm>>
      %dma_wait3A_42 = tpu.memref_squeeze %dma_wait3A_41 : memref<1x640x128xf32, #tpu.memory_space<hbm>> -> memref<640x128xf32, #tpu.memory_space<hbm>>
      %dma_wait3A_43 = arith.constant 0 : i32
      %dma_wait3A_44 = tpu.memref_slice %arg6[%mul3A_0, %dma_wait3A_43] : memref<10240x128xf32, #tpu.memory_space<vmem_shared>> -> memref<640x128xf32, #tpu.memory_space<vmem_shared>>
      tpu.wait_dma2 semaphore(%run_scoped3A : memref<!tpu.dma_semaphore, #tpu.memory_space<semaphore_mem>>) src(%dma_wait3A_44 : memref<640x128xf32, #tpu.memory_space<vmem_shared>>) dst(%dma_wait3A_42 : memref<640x128xf32, #tpu.memory_space<hbm>>)
      tpu.yield
    }) : () -> ()
    return
  }
}

module attributes {stable_mosaic.version = 14 : i64} {
  func.func @_scale_body(%arg0: i32, %arg1: memref<1000x256xf32, #tpu.memory_space<vmem>>, %arg2: memref<2x1000x128xf32, #tpu.memory_space<vmem>>, %arg3: memref<2x1000x128xf32, #tpu.memory_space<vmem>>, %arg4: memref<1000x1xf32, #tpu.memory_space<vmem>>) attributes {dimension_semantics = [#tpu.dimension_semantics<arbitrary>], iteration_bounds = array<i64: 10>, scalar_prefetch = 0 : i64, scratch_operands = 0 : i64, tpu.core_type = #tpu.core_type<tc>, window_params = [{transform_indices = @transform_0, window_bounds = array<i64: 1000, 256>}, {transform_indices = @transform_1, window_bounds = array<i64: 2, 1000, 128>}, {transform_indices = @transform_2, window_bounds = array<i64: 2, 1000, 128>}, {transform_indices = @transform_3, window_bounds = array<i64: 1000, 1>}]} {
    %get3A = arith.constant 0 : index
    %get3A_0 = arith.constant 0 : index
    %get3A_1 = arith.constant 0 : index
    %get3A_2 = vector.load %arg2[%get3A, %get3A_0, %get3A_1] : memref<2x1000x128xf32, #tpu.memory_space<vmem>>, vector<2x1000x128xf32>
    %slice3A = vector.extract_strided_slice %get3A_2 {offsets = [0, 0, 0], sizes = [1, 1000, 1], strides = [1, 1, 1]} : vector<2x1000x128xf32> to vector<1x1000x1xf32>
    %squeeze3A = vector.shape_cast %slice3A : vector<1x1000x1xf32> to vector<1000xf32>
    %slice3A_3 = vector.extract_strided_slice %get3A_2 {offsets = [1, 0, 0], sizes = [1, 1000, 1], strides = [1, 1, 1]} : vector<2x1000x128xf32> to vector<1x1000x1xf32>
    %squeeze3A_4 = vector.shape_cast %slice3A_3 : vector<1x1000x1xf32> to vector<1000xf32>
    %max3A = arith.constant 1.000000e+00 : f32
    %max3A_5 = vector.broadcast %max3A : f32 to vector<1000xf32>
    %max3A_6 = arith.maximumf %squeeze3A, %max3A_5 : vector<1000xf32>
    %rsqrt3A = math.rsqrt %max3A_6 : vector<1000xf32>
    %max3A_7 = arith.constant 1.000000e+00 : f32
    %max3A_8 = vector.broadcast %max3A_7 : f32 to vector<1000xf32>
    %max3A_9 = arith.maximumf %squeeze3A_4, %max3A_8 : vector<1000xf32>
    %rsqrt3A_10 = math.rsqrt %max3A_9 : vector<1000xf32>
    %get3A_11 = arith.constant 0 : index
    %get3A_12 = arith.constant 0 : index
    %get3A_13 = vector.load %arg1[%get3A_11, %get3A_12] : memref<1000x256xf32, #tpu.memory_space<vmem>>, vector<1000x256xf32>
    %broadcast_in_dim3A = vector.shape_cast %rsqrt3A : vector<1000xf32> to vector<1000x1xf32>
    %mul3A = vector.broadcast %broadcast_in_dim3A : vector<1000x1xf32> to vector<1000x256xf32>
    %mul3A_14 = arith.mulf %get3A_13, %mul3A : vector<1000x256xf32>
    %slice3A_15 = vector.extract_strided_slice %mul3A_14 {offsets = [0, 0], sizes = [1000, 128], strides = [1, 1]} : vector<1000x256xf32> to vector<1000x128xf32>
    %swap3A = arith.constant 0 : index
    %swap3A_16 = arith.constant 0 : index
    %swap3A_17 = arith.constant 0 : index
    %swap3A_18 = vector.load %arg3[%swap3A, %swap3A_16, %swap3A_17] : memref<2x1000x128xf32, #tpu.memory_space<vmem>>, vector<1x1000x128xf32>
    %swap3A_19 = vector.shape_cast %swap3A_18 : vector<1x1000x128xf32> to vector<1000x128xf32>
    %swap3A_20 = vector.shape_cast %slice3A_15 : vector<1000x128xf32> to vector<1x1000x128xf32>
    tpu.vector_store %arg3[%swap3A, %swap3A_16, %swap3A_17], %swap3A_20 {strides = array<i32>} : memref<2x1000x128xf32, #tpu.memory_space<vmem>>, vector<1x1000x128xf32>,
    %slice3A_21 = vector.extract_strided_slice %mul3A_14 {offsets = [0, 128], sizes = [1000, 128], strides = [1, 1]} : vector<1000x256xf32> to vector<1000x128xf32>
    %swap3A_22 = arith.constant 1 : index
    %swap3A_23 = arith.constant 0 : index
    %swap3A_24 = arith.constant 0 : index
    %swap3A_25 = vector.load %arg3[%swap3A_22, %swap3A_23, %swap3A_24] : memref<2x1000x128xf32, #tpu.memory_space<vmem>>, vector<1x1000x128xf32>
    %swap3A_26 = vector.shape_cast %swap3A_25 : vector<1x1000x128xf32> to vector<1000x128xf32>
    %swap3A_27 = vector.shape_cast %slice3A_21 : vector<1000x128xf32> to vector<1x1000x128xf32>
    tpu.vector_store %arg3[%swap3A_22, %swap3A_23, %swap3A_24], %swap3A_27 {strides = array<i32>} : memref<2x1000x128xf32, #tpu.memory_space<vmem>>, vector<1x1000x128xf32>,
    %broadcast_in_dim3A_28 = vector.shape_cast %rsqrt3A_10 : vector<1000xf32> to vector<1000x1xf32>
    %swap3A_29 = arith.constant 0 : index
    %swap3A_30 = arith.constant 0 : index
    %swap3A_31 = vector.load %arg4[%swap3A_29, %swap3A_30] : memref<1000x1xf32, #tpu.memory_space<vmem>>, vector<1000x1xf32>
    tpu.vector_store %arg4[%swap3A_29, %swap3A_30], %broadcast_in_dim3A_28 {strides = array<i32>} : memref<1000x1xf32, #tpu.memory_space<vmem>>, vector<1000x1xf32>,
    return
  }
  func.func @transform_0(%arg0: i32) -> (i32, i32) {
    %c0_i32 = arith.constant 0 : i32
    %c0_i32_0 = arith.constant 0 : i32
    return %arg0, %c0_i32 : i32, i32
  }
  func.func @transform_1(%arg0: i32) -> (i32, i32, i32) {
    %c0_i32 = arith.constant 0 : i32
    %c0_i32_0 = arith.constant 0 : i32
    %c0_i32_1 = arith.constant 0 : i32
    return %c0_i32, %arg0, %c0_i32_0 : i32, i32, i32
  }
  func.func @transform_2(%arg0: i32) -> (i32, i32, i32) {
    %c0_i32 = arith.constant 0 : i32
    %c0_i32_0 = arith.constant 0 : i32
    %c0_i32_1 = arith.constant 0 : i32
    return %c0_i32, %arg0, %c0_i32_0 : i32, i32, i32
  }
  func.func @transform_3(%arg0: i32) -> (i32, i32) {
    %c0_i32 = arith.constant 0 : i32
    %c0_i32_0 = arith.constant 0 : i32
    return %arg0, %c0_i32 : i32, i32
  }
}

module attributes {stable_mosaic.version = 14 : i64} {
  func.func @_matmul_body(%arg0: i32, %arg1: memref<2x1000x128xf32, #tpu.memory_space<vmem>>, %arg2: memref<256x256xf32, #tpu.memory_space<vmem>>, %arg3: memref<1000x1xf32, #tpu.memory_space<vmem>>, %arg4: memref<1x256xf32, #tpu.memory_space<vmem>>, %arg5: memref<1000x256xf32, #tpu.memory_space<vmem>>) attributes {dimension_semantics = [#tpu.dimension_semantics<arbitrary>], iteration_bounds = array<i64: 10>, scalar_prefetch = 0 : i64, scratch_operands = 0 : i64, tpu.core_type = #tpu.core_type<tc>, window_params = [{transform_indices = @transform_0, window_bounds = array<i64: 2, 1000, 128>}, {pipeline_mode = #tpu.pipeline_mode<synchronous>, transform_indices = @transform_1, window_bounds = array<i64: 256, 256>}, {transform_indices = @transform_2, window_bounds = array<i64: 1000, 1>}, {pipeline_mode = #tpu.pipeline_mode<synchronous>, transform_indices = @transform_3, window_bounds = array<i64: 1, 256>}, {transform_indices = @transform_4, window_bounds = array<i64: 1000, 256>}]} {
    %get3A = arith.constant 0 : index
    %get3A_0 = arith.constant 0 : index
    %get3A_1 = arith.constant 0 : index
    %get3A_2 = vector.load %arg1[%get3A, %get3A_0, %get3A_1] : memref<2x1000x128xf32, #tpu.memory_space<vmem>>, vector<2x1000x128xf32>
    %get3A_3 = arith.constant 0 : index
    %get3A_4 = arith.constant 0 : index
    %get3A_5 = vector.load %arg2[%get3A_3, %get3A_4] : memref<256x256xf32, #tpu.memory_space<vmem>>, vector<256x256xf32>
    %slice3A = vector.extract_strided_slice %get3A_2 {offsets = [0, 0, 0], sizes = [1, 1000, 128], strides = [1, 1, 1]} : vector<2x1000x128xf32> to vector<1x1000x128xf32>
    %squeeze3A = vector.shape_cast %slice3A : vector<1x1000x128xf32> to vector<1000x128xf32>
    %slice3A_6 = vector.extract_strided_slice %get3A_5 {offsets = [0, 0], sizes = [128, 256], strides = [1, 1]} : vector<256x256xf32> to vector<128x256xf32>
    %dot_general3A = arith.constant dense<0.000000e+00> : vector<1000x256xf32>
    %dot_general3A_7 = tpu.matmul %squeeze3A, %slice3A_6, %dot_general3A {dimension_numbers = #tpu.dot_dimension_numbers<[1], [0], [0], [1], [0, 0, 1, 1], [], []>, transpose_lhs_hint = false} : vector<1000x128xf32>, vector<128x256xf32>, vector<1000x256xf32> -> vector<1000x256xf32>
    %slice3A_8 = vector.extract_strided_slice %get3A_2 {offsets = [1, 0, 0], sizes = [1, 1000, 128], strides = [1, 1, 1]} : vector<2x1000x128xf32> to vector<1x1000x128xf32>
    %squeeze3A_9 = vector.shape_cast %slice3A_8 : vector<1x1000x128xf32> to vector<1000x128xf32>
    %slice3A_10 = vector.extract_strided_slice %get3A_5 {offsets = [128, 0], sizes = [128, 256], strides = [1, 1]} : vector<256x256xf32> to vector<128x256xf32>
    %dot_general3A_11 = arith.constant dense<0.000000e+00> : vector<1000x256xf32>
    %dot_general3A_12 = tpu.matmul %squeeze3A_9, %slice3A_10, %dot_general3A_11 {dimension_numbers = #tpu.dot_dimension_numbers<[1], [0], [0], [1], [0, 0, 1, 1], [], []>, transpose_lhs_hint = false} : vector<1000x128xf32>, vector<128x256xf32>, vector<1000x256xf32> -> vector<1000x256xf32>
    %add3A = arith.addf %dot_general3A_7, %dot_general3A_12 : vector<1000x256xf32>
    %get3A_13 = arith.constant 0 : index
    %get3A_14 = arith.constant 0 : index
    %get3A_15 = vector.load %arg3[%get3A_13, %get3A_14] : memref<1000x1xf32, #tpu.memory_space<vmem>>, vector<1000x1xf32>
    %mul3A = vector.broadcast %get3A_15 : vector<1000x1xf32> to vector<1000x256xf32>
    %mul3A_16 = arith.mulf %add3A, %mul3A : vector<1000x256xf32>
    %get3A_17 = arith.constant 0 : index
    %get3A_18 = arith.constant 0 : index
    %get3A_19 = vector.load %arg4[%get3A_17, %get3A_18] : memref<1x256xf32, #tpu.memory_space<vmem>>, vector<1x256xf32>
    %add3A_20 = vector.broadcast %get3A_19 : vector<1x256xf32> to vector<1000x256xf32>
    %add3A_21 = arith.addf %mul3A_16, %add3A_20 : vector<1000x256xf32>
    %swap3A = arith.constant 0 : index
    %swap3A_22 = arith.constant 0 : index
    %swap3A_23 = vector.load %arg5[%swap3A, %swap3A_22] : memref<1000x256xf32, #tpu.memory_space<vmem>>, vector<1000x256xf32>
    tpu.vector_store %arg5[%swap3A, %swap3A_22], %add3A_21 {strides = array<i32>} : memref<1000x256xf32, #tpu.memory_space<vmem>>, vector<1000x256xf32>,
    return
  }
  func.func @transform_0(%arg0: i32) -> (i32, i32, i32) {
    %c0_i32 = arith.constant 0 : i32
    %c0_i32_0 = arith.constant 0 : i32
    %c0_i32_1 = arith.constant 0 : i32
    return %c0_i32, %arg0, %c0_i32_0 : i32, i32, i32
  }
  func.func @transform_1(%arg0: i32) -> (i32, i32) {
    %c0_i32 = arith.constant 0 : i32
    %c0_i32_0 = arith.constant 0 : i32
    %c0_i32_1 = arith.constant 0 : i32
    return %c0_i32, %c0_i32_0 : i32, i32
  }
  func.func @transform_2(%arg0: i32) -> (i32, i32) {
    %c0_i32 = arith.constant 0 : i32
    %c0_i32_0 = arith.constant 0 : i32
    return %arg0, %c0_i32 : i32, i32
  }
  func.func @transform_3(%arg0: i32) -> (i32, i32) {
    %c0_i32 = arith.constant 0 : i32
    %c0_i32_0 = arith.constant 0 : i32
    %c0_i32_1 = arith.constant 0 : i32
    return %c0_i32, %c0_i32_0 : i32, i32
  }
  func.func @transform_4(%arg0: i32) -> (i32, i32) {
    %c0_i32 = arith.constant 0 : i32
    %c0_i32_0 = arith.constant 0 : i32
    return %arg0, %c0_i32 : i32, i32
  }
}

</mosaic_0001>

<sc_bundles>
// kernel: kernel.6.cloned.1.call-start
scs
__scs_entry_jumppad:
0x0: {  	(pc) =	sbr.rel $0x88, $3  }
0x1: {  	(tag) =	ssettag $0x0;
	lr =	simm.s32 $0x1  }
0x2: {  	[smem:$0x3F9D] =	sst lr;
	_ =	strace $0xD0000000  }
0x3: {  	_ = 	snop  }
0x4: {  	_ = 	snop  }
0x5: {  	_ = 	snop  }
0x6: {  	_ = 	snop  }
0x7: {  	_ = 	snop  }
__scs_overlays_trampoline_lowered:
0x8: {  	[smem:$0x3FAC] =	sst s0  }
0x9: {  	[smem:$0x3FAD] =	sst s1  }
0xa: {  	[smem:$0x3FAE] =	sst s2  }
0xb: {  	[smem:$0x3FAF] =	sst s3  }
0xc: {  	[smem:$0x3FB0] =	sst s4  }
0xd: {  	[smem:$0x3FB1] =	sst s5  }
0xe: {  	[smem:$0x3FB2] =	sst s6  }
0xf: {  	[smem:$0x3FB3] =	sst s7  }
0x10: {  	[smem:$0x3FB4] =	sst s8  }
0x11: {  	[smem:$0x3FB5] =	sst s9;
	s0 =	simm.s32 @!p0 $0x0  }
0x12: {  	s1 =	sld [smem:$0x3F9B];
	s0 =	simm.s32 @p0 $0x1  }
0x13: {  	[smem:$0x3FB6] =	sst s0;
	s0 =	simm.s32 @!p1 $0x0  }
0x14: {  	s2 =	sld [smem:$0x3F9A];
	s0 =	simm.s32 @p1 $0x1  }
0x15: {  	[smem:$0x3FB7] =	sst s0;
	s0 =	simm.s32 @!p2 $0x0  }
0x16: {  	s3 =	sld [smem:$0x3FDB];
	s0 =	simm.s32 @p2 $0x1  }
0x17: {  	s4 =	simm.s32 $0x1BF5;
	[smem:$0x3FB9] =	sst s0  }
0x18: {  	s0 =	sld [smem:$0x3F9C];
	_ =	swait.ge [sflag:s4], $0x0  }
0x19: {  	s7 =	sld [smem:$0x3F9D]  }
0x1a: {  	s8 =	sadd.s32 $0xFFFFE003, lr  }
0x1b: {  	s9 =	sadd.s32 $0xFFFFFEF7, lr;
	s5 =	simm.s32 $0xFFFFFFFF;
	p2 =	slt.u32 s8, $0xFFFFF086  }
0x1c: {  	p1 =	slt.u32 s9, $0xF7A;
	s5 =	simm.s32 @!p2 $0x0  }
0x1d: {  	s5 =	simm.s32 @p1 $0x1;
	p0 =	seq.s32 s7, s2  }
0x1e: {  	s7 =	smul.u32 @!p0 $0xF7A, s2;
	p2 =	seq.s32 @!p0 s5, $0x0  }
0x1f: {  	s9 =	smul.u32 $0xF7A, s1;
	s8 =	simm.s32 @!p0 $0x1BF5;
	p2 =	por !p2, p0  }
0x20: {  	[sflag:s8] =	ssyncset.s32 @!p0 $0xFFFFF086;
	s6 =	sadd.s32 @!p0 s3, s7;
	s7 =	simm.s32 @!p0 $0x108  }
0x21: {  	s3 =	sadd.s32 s3, s9;
	s6 =	sadd.s32 @!p0 $0x88, s6;
	s7 =	simm.s32 @p2 $0x1082  }
0x22: {  	[simem:s7], [sflag:s8] =	dma.local @!p0 [hbm:s6], $0xF7A  }
0x23: {  	s9 =	sor.u32 $0xD0000000, s2;
	s6 =	simm.s32 $0x108;
	_ =	swait.ge @!p0 [sflag:s8], $0x0  }
0x24: {  	s3 =	sadd.s32 $0x88, s3;
	s6 =	simm.s32 @!p1 $0x1082;
	[sflag:s4] =	ssyncset.s32 $0xFFFFF086  }
0x25: {  	[simem:s6], [sflag:s4] =	dma.local [hbm:s3], $0xF7A  }
0x26: {  	[smem:$0x3F9D] =	sst s1;
	(tag) =	ssettag s2;
	_ =	strace s9  }
0x27: {  	s1 =	sld [smem:$0x3FAD]  }
0x28: {  	s2 =	sld [smem:$0x3FAE]  }
0x29: {  	s4 =	sld [smem:$0x3FB0]  }
0x2a: {  	p0 =	seq.s32 s5, $0x0;
	s5 =	sld [smem:$0x3FB1]  }
0x2b: {  	s6 =	sld [smem:$0x3FB2]  }
0x2c: {  	s7 =	sld [smem:$0x3FB3]  }
0x2d: {  	s3 =	simm.s32 $0x108;
	s8 =	sld [smem:$0x3FB4]  }
0x2e: {  	s3 =	simm.s32 @!p0 $0x1082;
	s9 =	sld [smem:$0x3FB5]  }
0x2f: {  	lr =	sadd.s32 s0, s3;
	s0 =	sld [smem:$0x3FAC]  }
0x30: {  	s3 =	sld [smem:$0x3FAF]  }
0x31: {  	[smem:$0x3FB8] =	sst s10  }
0x32: {  	s10 =	sld [smem:$0x3FB6];
	_ =	sdelay $0x3  }
0x33: {  	p0 =	seq.s32 s10, $0x1;
	s10 =	sld [smem:$0x3FB8];
	_ =	sdelay $0x3  }
0x34: {  	[smem:$0x3FB8] =	sst s10  }
0x35: {  	s10 =	sld [smem:$0x3FB7];
	_ =	sdelay $0x3  }
0x36: {  	p1 =	seq.s32 s10, $0x1;
	s10 =	sld [smem:$0x3FB8];
	_ =	sdelay $0x3  }
0x37: {  	[smem:$0x3FB8] =	sst s10  }
0x38: {  	s10 =	sld [smem:$0x3FB9]  }
0x39: {  	_ = 	snop;
	(pc) =	sbr.ind lr, $3  }
0x3a: {  	_ = 	snop  }
0x3b: {  	_ = 	snop  }
0x3c: {  	p2 =	seq.s32 s10, $0x1;
	s10 =	sld [smem:$0x3FB8]  }
0x3d: {  	_ =	shalt  }
0x3e: {  	_ =	shalt  }
0x3f: {  	_ =	shalt  }
0x40: {  	_ =	shalt  }
0x41: {  	_ =	shalt  }
0x42: {  	_ =	shalt  }
0x43: {  	_ =	shalt  }
0x44: {  	_ =	shalt  }
0x45: {  	_ =	shalt  }
0x46: {  	_ =	shalt  }
0x47: {  	_ =	shalt  }
0x48: {  	_ =	shalt  }
0x49: {  	_ =	shalt  }
0x4a: {  	_ =	shalt  }
0x4b: {  	_ =	shalt  }
0x4c: {  	_ =	shalt  }
0x4d: {  	_ =	shalt  }
0x4e: {  	_ =	shalt  }
0x4f: {  	_ =	shalt  }
0x50: {  	_ =	shalt  }
0x51: {  	_ =	shalt  }
0x52: {  	_ =	shalt  }
0x53: {  	_ =	shalt  }
0x54: {  	_ =	shalt  }
0x55: {  	_ =	shalt  }
0x56: {  	_ =	shalt  }
0x57: {  	_ =	shalt  }
0x58: {  	_ =	shalt  }
0x59: {  	_ =	shalt  }
0x5a: {  	_ =	shalt  }
0x5b: {  	_ =	shalt  }
0x5c: {  	_ =	shalt  }
0x5d: {  	_ =	shalt  }
0x5e: {  	_ =	shalt  }
0x5f: {  	_ =	shalt  }
0x60: {  	_ =	shalt  }
0x61: {  	_ =	shalt  }
0x62: {  	_ =	shalt  }
0x63: {  	_ =	shalt  }
0x64: {  	_ =	shalt  }
0x65: {  	_ =	shalt  }
0x66: {  	_ =	shalt  }
0x67: {  	_ =	shalt  }
0x68: {  	_ =	shalt  }
0x69: {  	_ =	shalt  }
0x6a: {  	_ =	shalt  }
0x6b: {  	_ =	shalt  }
0x6c: {  	_ =	shalt  }
0x6d: {  	_ =	shalt  }
0x6e: {  	_ =	shalt  }
0x6f: {  	_ =	shalt  }
0x70: {  	_ =	shalt  }
0x71: {  	_ =	shalt  }
0x72: {  	_ =	shalt  }
0x73: {  	_ =	shalt  }
0x74: {  	_ =	shalt  }
0x75: {  	_ =	shalt  }
0x76: {  	_ =	shalt  }
0x77: {  	_ =	shalt  }
0x78: {  	_ =	shalt  }
0x79: {  	_ =	shalt  }
0x7a: {  	_ =	shalt  }
0x7b: {  	_ =	shalt  }
0x7c: {  	_ =	shalt  }
0x7d: {  	_ =	shalt  }
0x7e: {  	_ =	shalt  }
0x7f: {  	_ =	shalt  }
0x80: {  	_ =	shalt  }
0x81: {  	_ =	shalt  }
0x82: {  	_ =	shalt  }
0x83: {  	_ =	shalt  }
0x84: {  	_ =	shalt  }
0x85: {  	_ =	shalt  }
0x86: {  	_ =	shalt  }
0x87: {  	_ =	shalt  }
.Lfunc_end0:
.L_simem_size_0:
called_computation_lowered:
.L_overlay_start_0:
0x88: {  	s2 =	sld [smem:$0x3FD9]  }
0x89: {  	s3 =	sld [smem:$0x3FFE];
	_ =	sdelay $0x1  }
0x8a: {  	s1 =	srdreg.scid  }
0x8b: {  	s0 =	sand.u32 $0x1, s1  }
0x8c: {  	s17 =	sshll.u32 s0, $0xA;
	s2 =	sadd.s32 s3, s2  }
0x8d: {  	s2 =	sadd.s32 s2, s17  }
0x8e: {  	[smem:$0x3FC4] =	sst s2  }
0x8f: {  	_ = 	snop  }
0x90: {  	s2 =	sld [smem:$0x3FD0];
	(tm) =	ssettm $0x1  }
0x91: {  	s18 =	sld [smem:$0x3FFB];
	_ =	sdelay $0x3  }
0x92: {  	_ =	strace s18  }
0x93: {  	s3 =	sld [smem:$0x3FFC];
	_ =	sdelay $0x3  }
0x94: {  	_ =	strace s3  }
0x95: {  	s3 =	sld [smem:$0x3FFD];
	_ =	sdelay $0x3  }
0x96: {  	_ =	strace s3  }
0x97: {  	_ =	strace $0x8FFFFFFF  }
0x98: {  	s19 =	sld [smem:$0x3FDB];
	_ =	sdelay $0x1  }
0x99: {  	s4 =	simm.s32 $_scs_section_size  }
0x9a: {  	s5 =	simm.s32 $_size__tile_overlayer_lowered;
	s6 =	simm.s32 $_tile_overlayer_lowered  }
0x9b: {  	s22 =	simm.s32 $0x1BFF;
	s21 =	sshll.u32 s6, $0x1;
	s3 =	sadd.s32 s4, s19  }
0x9c: {  	s7 =	simm.s32 $0x0;
	s20 =	sshll.u32 s5, $0x1;
	s5 =	sadd.s32 s21, s3  }
0x9d: {  	[timem:s7], [sflag:s22] =	dma.local [hbm:s5], s20  }
0x9e: {  	_ =	swait.ge [sflag:s22], s20  }
0x9f: {  	s4 =	ssub.s32 $0x0, s20;
	[sflag:s22] =	ssyncset.done $0x0  }
0xa0: {  	[sflag:s22] =	ssyncadd.s32 s4;
	_ =	sdelay $0x1  }
0xa1: {  	s23 =	simm.s32 $0x1B8B  }
0xa2: {  	_ =	swait.ge [sflag:s23], $0x1  }
0xa3: {  	[sflag:s23] =	ssyncset.done $0x0  }
0xa4: {  	s25 =	simm.s32 $0x1B8E;
	s24 =	sld [smem:$0x3FFE];
	[sflag:s23] =	ssyncadd.s32 $0xFFFFFFFF  }
0xa5: {  	s26 =	simm.s32 $execute0_lowered;
	[smem:$0x3FD2] =	sst s25  }
0xa6: {  	s5 =	sshll.u32 s26, $0x1;
	_ =	strace $0x80000046;
	[dreg:$0x1] =	wrdreg $0xFFFFFFFF  }
0xa7: {  	s28 =	simm.s32 $_size_execute0_lowered;
	s3 =	sadd.s32 s3, s5;
	[dreg:$0x0] =	wrdreg $0x0  }
0xa8: {  	s5 =	sshll.u32 s28, $0x1;
	[dreg:$0x2] =	wrdreg s3  }
0xa9: {  	[dreg:$0x3] =	wrdreg s5  }
0xaa: {  	[dreg:$0x4] =	wrdreg $0xC0  }
0xab: {  	_ =	task [dreg:s7], $0x5FFFF  }
0xac: {  	[dreg:$0x1] =	wrdreg $0xFFFFFFFF  }
0xad: {  	[dreg:$0x0] =	wrdreg $0x60  }
0xae: {  	[dreg:$0x2] =	wrdreg s2  }
0xaf: {  	[dreg:$0x3] =	wrdreg s24  }
0xb0: {  	[dreg:$0x4] =	wrdreg $0x0  }
0xb1: {  	[dreg:$0x5] =	wrdreg $0x9  }
0xb2: {  	_ =	task.clear_ibuf [dreg:s7], $0x6FFFF;
	_ =	strace $0x90000046  }
0xb3: {  	s29 =	simm.s32 $0x9;
	_ =	strace $0x80000048  }
0xb4: {  	_ =	swait.ge [sflag:s29], $0x1  }
0xb5: {  	[sflag:s29] =	ssyncadd.s32 $0xFFFFFFFF  }
0xb6: {  	_ =	strace $0x90000048  }
0xb7: {  	_ =	sfence  }
0xb8: {  	s30 =	sld [smem:$0x0];
	_ =	sdelay $0x2  }
0xb9: {  	s31 =	sshll.u32 s1, $0xD;
	s1 =	sshrl.u32 s1, $0x2  }
0xba: {  	s3 =	sand.u32 $0x4000, s31;
	s1 =	sadd.s32 s1, s30  }
0xbb: {  	s0 =	sor.u32 s3, s0;
	s1 =	sshll.u32 s1, $0x11  }
0xbc: {  	s0 =	sor.u32 s1, s0  }
0xbd: {  	s0 =	sadd.s32 $0x8F2B, s0  }
0xbe: {  	[sflag:s0] =	ssyncadd.remote.s32 $0x1  }
0xbf: {  	_ =	sfence.sel $0xFFFF  }
0xc0: {  	[dreg:$0x0] =	wrdreg $0xFFFFFFFF;
	(pc) =	sbr.abs _section_cstart, $3  }
0xc1: {  	[dreg:$0x1] =	wrdreg $0xFFFFFFFF  }
0xc2: {  	_ =	task.clear_ibuf [dreg:s7], $0x2FFFF;
	_ =	strace $0x9FFFFFFF  }
0xc3: {  	(tm) =	ssettm $0x7FFFFFFF  }
tec
execute0_lowered:
.L_overlay_start_1:
0x0: {  	(tag) =	ssettag $0x1  }
0x1: {  	s5 =	rddreg [dreg:$0x0]  }
0x2: {  	s6 =	rddreg [dreg:$0x1]  }
0x3: {  	s2 =	rddreg [dreg:$0x2]  }
0x4: {  	s0 =	rddreg [dreg:$0x3]  }
0x5: {  	s1 =	stileid.u32;
	s3 =	simm.s32 $0x0;
	s4 =	srdreg.scid  }
0x6: {  	s14 =	simm.s32 $0x80;
	s15 =	simm.s32 $0x14080;
	s16 =	simm.s32 $0x14100  }
0x7: {  	s17 =	simm.s32 $0x14180;
	s18 =	simm.s32 $0x1;
	s19 =	simm.s32 $0x2  }
0x8: {  	s20 =	simm.s32 $0x3;
	s21 =	simm.s32 $0x4;
	s22 =	simm.s32 $0x0  }
0x9: {  	s7 =	smul.u32 $0x14000, s1;
	[smem:$0x7FF] =	sst s3;
	s8 =	sand.u32 $0x1, s4  }
0xa: {  	s4 =	sadd.s32 $0xAC00, s6;
	s30 =	smul.u32 $0x50000, s1;
	s12 =	sshll.u32 s1, $0x6  }
0xb: {  	_ =	strace $0x80000047;
	s10 =	smul.u32 $0x140000, s8;
	s11 =	sshll.u32 s8, $0x4  }
0xc: {  	s8 =	ssub.s32 $0x2, s8;
	s12 =	sor.u32 $0x1C05, s12;
	s9 =	sshrl.u32 s7, $0x3  }
0xd: {  	s29 =	sor.u32 s1, s11;
	s31 =	sshrl.u32 s8, $0x1;
	s11 =	sshrl.u32 s30, $0x2  }
0xe: {  	s9 =	sadd.s32 s9, s6;
	s7 =	sadd.s32 s7, s10;
	s10 =	smul.u32 $0x500, s29  }
0xf: {  	s8 =	ssub.s32 s8, s31;
	s13 =	sadd.s32 s11, s2;
	s11 =	simm.s32 $0x14000  }
0x10: {  	s7 =	sshrl.u32 s7, $0x3;
	s8 =	smax.u32 s8, $0x1;
	s13 =	sshrl.u32 s13, $0x3  }
0x11: {  	s7 =	sadd.s32 s7, s6;
	s5 =	sadd.s32 s5, s10;
	s6 =	sadd.s32 $0xB400, s9  }
0x12: {  	s9 =	simm.s32 $0x16800;
	s10 =	simm.s32 $0x5;
	s7 =	sadd.s32 $0x33400, s7  }
.LBB2_1:
0x13: {  	[tilespmem:s9], [sflag:$0x5] =	stream.linear.gather [hbm4b:s4+s3], $0x4000, $0x38;
	[tilespmem:$0x1A800] =	vst v63  }
0x14: {  	_ =	swait.ge [sflag:s10], $0x4000  }
0x15: {  	[sflag:s10] =	ssyncset.done $0x0  }
0x16: {  	[sflag:s10] =	ssyncadd.s32 $0xFFFFC000  }
0x17: {  	[tilespmem:s11], [sflag:$0x5] =	stream.linear.gather [hbm4b:s5+s3], $0x2800, $0x38;
	[tilespmem:$0x1A800] =	vst v63  }
0x18: {  	_ =	swait.ge [sflag:s10], $0x2800  }
0x19: {  	[sflag:s10] =	ssyncset.done $0x0  }
0x1a: {  	[sflag:s10] =	ssyncadd.s32 $0xFFFFD800  }
0x1b: {  	[spmem:s13], [sflag:s12] =	dma.local [hbm:s6], $0x2800  }
0x1c: {  	_ =	swait.ge [sflag:s10], $0x2800  }
0x1d: {  	[sflag:s10] =	ssyncset.done $0x0  }
0x1e: {  	[sflag:s10] =	ssyncadd.s32 $0xFFFFD800  }
0x1f: {  	[bflag:$0x0] =	sbarrier.arrive $0xFFFF  }
0x20: {  	[spmem:s2] =	stream.indirect.scatter.add.f32 [tilespmem:s9], [sflag:$0x1], $0x80, s11, s14, $0xb8;
	[tilespmem:$0x1A800] =	vst v63  }
0x21: {  	_ = 	snop  }
0x22: {  	[spmem:s2] =	stream.indirect.scatter.add.f32 [tilespmem:s9], [sflag:$0x2], $0x80, s15, s14, $0xb8;
	[tilespmem:$0x1A800] =	vst v63  }
0x23: {  	_ = 	snop  }
0x24: {  	[spmem:s2] =	stream.indirect.scatter.add.f32 [tilespmem:s9], [sflag:$0x3], $0x80, s16, s14, $0xb8;
	[tilespmem:$0x1A800] =	vst v63  }
0x25: {  	_ = 	snop  }
0x26: {  	[spmem:s2] =	stream.indirect.scatter.add.f32 [tilespmem:s9], [sflag:$0x4], $0x80, s17, s14, $0xb8;
	[tilespmem:$0x1A800] =	vst v63  }
0x27: {  	_ =	swait.ge [sflag:s18], $0x4000  }
0x28: {  	[sflag:s18] =	ssyncset.done $0x0  }
0x29: {  	s23 =	simm.s32 $0x14200;
	[sflag:s18] =	ssyncadd.s32 $0xFFFFC000  }
0x2a: {  	[spmem:s2] =	stream.indirect.scatter.add.f32 [tilespmem:s9], [sflag:$0x1], $0x80, s23, s14, $0xb8;
	[tilespmem:$0x1A800] =	vst v63  }
0x2b: {  	_ =	swait.ge [sflag:s19], $0x4000  }
0x2c: {  	[sflag:s19] =	ssyncset.done $0x0  }
0x2d: {  	s30 =	simm.s32 $0x14280;
	[sflag:s19] =	ssyncadd.s32 $0xFFFFC000  }
0x2e: {  	[spmem:s2] =	stream.indirect.scatter.add.f32 [tilespmem:s9], [sflag:$0x2], $0x80, s30, s14, $0xb8;
	[tilespmem:$0x1A800] =	vst v63  }
0x2f: {  	_ =	swait.ge [sflag:s20], $0x4000  }
0x30: {  	[sflag:s20] =	ssyncset.done $0x0  }
0x31: {  	s31 =	simm.s32 $0x14300;
	[sflag:s20] =	ssyncadd.s32 $0xFFFFC000  }
0x32: {  	[spmem:s2] =	stream.indirect.scatter.add.f32 [tilespmem:s9], [sflag:$0x3], $0x80, s31, s14, $0xb8;
	[tilespmem:$0x1A800] =	vst v63  }
0x33: {  	_ =	swait.ge [sflag:s21], $0x4000  }
0x34: {  	[sflag:s21] =	ssyncset.done $0x0  }
0x35: {  	s24 =	simm.s32 $0x14380;
	s23 =	simm.s32 $0xFFFF7000;
	[sflag:s21] =	ssyncadd.s32 $0xFFFFC000  }
.LBB2_2:
0x36: {  	[spmem:s2] =	stream.indirect.scatter.add.f32 [tilespmem:s9], [sflag:$0x4], $0x80, s24, s14, $0xb8;
	[tilespmem:$0x1A800] =	vst v63  }
0x37: {  	s24 =	smov.u32 s23  }
0x38: {  	p0 =	sne.s32 s23, $0xFFFFF800;
	s23 =	sadd.s32 $0x800, s23;
	_ =	swait.ge [sflag:s18], $0x4000  }
0x39: {  	s24 =	sshra.s32 s24, $0x2;
	[sflag:s18] =	ssyncset.done $0x0  }
0x3a: {  	s25 =	sadd.s32 $0x16800, s24;
	[sflag:s18] =	ssyncadd.s32 $0xFFFFC000  }
0x3b: {  	[spmem:s2] =	stream.indirect.scatter.add.f32 [tilespmem:s9], [sflag:$0x1], $0x80, s25, s14, $0xb8;
	[tilespmem:$0x1A800] =	vst v63  }
0x3c: {  	_ =	swait.ge [sflag:s19], $0x4000  }
0x3d: {  	[sflag:s19] =	ssyncset.done $0x0  }
0x3e: {  	s25 =	sadd.s32 $0x16880, s24;
	[sflag:s19] =	ssyncadd.s32 $0xFFFFC000  }
0x3f: {  	[spmem:s2] =	stream.indirect.scatter.add.f32 [tilespmem:s9], [sflag:$0x2], $0x80, s25, s14, $0xb8;
	[tilespmem:$0x1A800] =	vst v63  }
0x40: {  	_ =	swait.ge [sflag:s20], $0x4000  }
0x41: {  	[sflag:s20] =	ssyncset.done $0x0  }
.Ltmp0:
0x42: {  	s25 =	sadd.s32 $0x16900, s24;
	[sflag:s20] =	ssyncadd.s32 $0xFFFFC000;
	(pc) =	sbr.rel @p0 .LBB2_2-.Ltmp0, $4  }
0x43: {  	[spmem:s2] =	stream.indirect.scatter.add.f32 [tilespmem:s9], [sflag:$0x3], $0x80, s25, s14, $0xb8;
	[tilespmem:$0x1A800] =	vst v63  }
0x44: {  	_ =	swait.ge [sflag:s21], $0x4000  }
0x45: {  	[sflag:s21] =	ssyncset.done $0x0  }
0x46: {  	s24 =	sadd.s32 $0x16980, s24;
	[sflag:s21] =	ssyncadd.s32 $0xFFFFC000  }
0x47: {  	[spmem:s2] =	stream.indirect.scatter.add.f32 [tilespmem:s9], [sflag:$0x4], $0x80, s24, s14, $0xb8;
	[tilespmem:$0x1A800] =	vst v63  }
0x48: {  	_ =	swait.ge [sflag:s18], $0x4000  }
0x49: {  	[sflag:s18] =	ssyncset.done $0x0  }
0x4a: {  	[sflag:s18] =	ssyncadd.s32 $0xFFFFC000  }
0x4b: {  	_ =	swait.ge [sflag:s19], $0x4000  }
0x4c: {  	[sflag:s19] =	ssyncset.done $0x0  }
0x4d: {  	[sflag:s19] =	ssyncadd.s32 $0xFFFFC000  }
0x4e: {  	_ =	swait.ge [sflag:s20], $0x4000  }
0x4f: {  	[sflag:s20] =	ssyncset.done $0x0  }
0x50: {  	[sflag:s20] =	ssyncadd.s32 $0xFFFFC000  }
0x51: {  	_ =	swait.ge [sflag:s21], $0x4000  }
0x52: {  	s22 =	sadd.s32 $0x1, s22;
	[sflag:s21] =	ssyncset.done $0x0  }
0x53: {  	p0 =	sne.s32 s22, s8;
	[sflag:s21] =	ssyncadd.s32 $0xFFFFC000  }
.Ltmp1:
0x54: {  	[bflag:$0x0] =	sbarrier.arrive $0xFFFF;
	(pc) =	sbr.rel @p0 .LBB2_1-.Ltmp1, $4  }
0x55: {  	[hbm:s7], [sflag:s12] =	dma.local [spmem:s13], $0x2800  }
0x56: {  	_ =	swait.ge [sflag:s10], $0x2800  }
0x57: {  	[sflag:s10] =	ssyncset.done $0x0  }
0x58: {  	[sflag:s10] =	ssyncadd.s32 $0xFFFFD800  }
0x59: {  	_ =	sfence.sel $0x180000  }
0x5a: {  	[bflag:$0x0] =	sbarrier.arrive $0xFFFF  }
0x5b: {  	p0 =	sne.s32 s1, $0x0;
	_ =	strace $0x90000047  }
0x5c: {  	s0 =	sadd.s32 @!p0 $0x100000, s0;
	[bflag:$0x2] =	sbarrier.arrive $0xFFFF  }
0x5d: {  	[sflag:s0] =	ssyncadd.tile.s32 @!p0 $0x1;
	_ =	shalt  }
.Lfunc_end2:
_tile_overlayer_lowered:
.L_overlay_start_2:
0x5e: {  	(tag) =	ssettag $0x2  }
0x5f: {  	s0 =	rddreg [dreg:$0x0];
	s2 =	stileid.u32  }
0x60: {  	s1 =	rddreg [dreg:$0x1];
	p0 =	sne.s32 s2, $0x0  }
0x61: {  	s3 =	rddreg [dreg:$0x2];
	[bflag:$0x3] =	sbarrier.arrive $0xFFFF;
	s2 =	simm.s32 @!p0 $0x1C05  }
0x62: {  	[timem:s3], [sflag:s2] =	dma.local @!p0 [hbm:s0], s1  }
0x63: {  	s0 =	simm.s32 @!p0 $0x5  }
0x64: {  	_ =	swait.ge @!p0 [sflag:s0], s1  }
0x65: {  	s1 =	ssub.s32 @!p0 $0x0, s1;
	[sflag:s0] =	ssyncset.done @!p0 $0x0  }
0x66: {  	[sflag:s0] =	ssyncadd.s32 @!p0 s1  }
0x67: {  	[bflag:$0x3] =	sbarrier.arrive $0xFFFF  }
0x68: {  	_ =	shalt  }

// kernel: kernel.9.cloned.1.call-start
scs
__scs_entry_jumppad:
0x0: {  	(pc) =	sbr.rel $0x88, $3  }
0x1: {  	(tag) =	ssettag $0x0;
	lr =	simm.s32 $0x1  }
0x2: {  	[smem:$0x3F9D] =	sst lr;
	_ =	strace $0xD0000000  }
0x3: {  	_ = 	snop  }
0x4: {  	_ = 	snop  }
0x5: {  	_ = 	snop  }
0x6: {  	_ = 	snop  }
0x7: {  	_ = 	snop  }
__scs_overlays_trampoline_lowered:
0x8: {  	[smem:$0x3FAC] =	sst s0  }
0x9: {  	[smem:$0x3FAD] =	sst s1  }
0xa: {  	[smem:$0x3FAE] =	sst s2  }
0xb: {  	[smem:$0x3FAF] =	sst s3  }
0xc: {  	[smem:$0x3FB0] =	sst s4  }
0xd: {  	[smem:$0x3FB1] =	sst s5  }
0xe: {  	[smem:$0x3FB2] =	sst s6  }
0xf: {  	[smem:$0x3FB3] =	sst s7  }
0x10: {  	[smem:$0x3FB4] =	sst s8  }
0x11: {  	[smem:$0x3FB5] =	sst s9;
	s0 =	simm.s32 @!p0 $0x0  }
0x12: {  	s1 =	sld [smem:$0x3F9B];
	s0 =	simm.s32 @p0 $0x1  }
0x13: {  	[smem:$0x3FB6] =	sst s0;
	s0 =	simm.s32 @!p1 $0x0  }
0x14: {  	s2 =	sld [smem:$0x3F9A];
	s0 =	simm.s32 @p1 $0x1  }
0x15: {  	[smem:$0x3FB7] =	sst s0;
	s0 =	simm.s32 @!p2 $0x0  }
0x16: {  	s3 =	sld [smem:$0x3FDB];
	s0 =	simm.s32 @p2 $0x1  }
0x17: {  	s4 =	simm.s32 $0x1BF5;
	[smem:$0x3FB9] =	sst s0  }
0x18: {  	s0 =	sld [smem:$0x3F9C];
	_ =	swait.ge [sflag:s4], $0x0  }
0x19: {  	s7 =	sld [smem:$0x3F9D]  }
0x1a: {  	s8 =	sadd.s32 $0xFFFFE003, lr  }
0x1b: {  	s9 =	sadd.s32 $0xFFFFFEF7, lr;
	s5 =	simm.s32 $0xFFFFFFFF;
	p2 =	slt.u32 s8, $0xFFFFF086  }
0x1c: {  	p1 =	slt.u32 s9, $0xF7A;
	s5 =	simm.s32 @!p2 $0x0  }
0x1d: {  	s5 =	simm.s32 @p1 $0x1;
	p0 =	seq.s32 s7, s2  }
0x1e: {  	s7 =	smul.u32 @!p0 $0xF7A, s2;
	p2 =	seq.s32 @!p0 s5, $0x0  }
0x1f: {  	s9 =	smul.u32 $0xF7A, s1;
	s8 =	simm.s32 @!p0 $0x1BF5;
	p2 =	por !p2, p0  }
0x20: {  	[sflag:s8] =	ssyncset.s32 @!p0 $0xFFFFF086;
	s6 =	sadd.s32 @!p0 s3, s7;
	s7 =	simm.s32 @!p0 $0x108  }
0x21: {  	s3 =	sadd.s32 s3, s9;
	s6 =	sadd.s32 @!p0 $0x88, s6;
	s7 =	simm.s32 @p2 $0x1082  }
0x22: {  	[simem:s7], [sflag:s8] =	dma.local @!p0 [hbm:s6], $0xF7A  }
0x23: {  	s9 =	sor.u32 $0xD0000000, s2;
	s6 =	simm.s32 $0x108;
	_ =	swait.ge @!p0 [sflag:s8], $0x0  }
0x24: {  	s3 =	sadd.s32 $0x88, s3;
	s6 =	simm.s32 @!p1 $0x1082;
	[sflag:s4] =	ssyncset.s32 $0xFFFFF086  }
0x25: {  	[simem:s6], [sflag:s4] =	dma.local [hbm:s3], $0xF7A  }
0x26: {  	[smem:$0x3F9D] =	sst s1;
	(tag) =	ssettag s2;
	_ =	strace s9  }
0x27: {  	s1 =	sld [smem:$0x3FAD]  }
0x28: {  	s2 =	sld [smem:$0x3FAE]  }
0x29: {  	s4 =	sld [smem:$0x3FB0]  }
0x2a: {  	p0 =	seq.s32 s5, $0x0;
	s5 =	sld [smem:$0x3FB1]  }
0x2b: {  	s6 =	sld [smem:$0x3FB2]  }
0x2c: {  	s7 =	sld [smem:$0x3FB3]  }
0x2d: {  	s3 =	simm.s32 $0x108;
	s8 =	sld [smem:$0x3FB4]  }
0x2e: {  	s3 =	simm.s32 @!p0 $0x1082;
	s9 =	sld [smem:$0x3FB5]  }
0x2f: {  	lr =	sadd.s32 s0, s3;
	s0 =	sld [smem:$0x3FAC]  }
0x30: {  	s3 =	sld [smem:$0x3FAF]  }
0x31: {  	[smem:$0x3FB8] =	sst s10  }
0x32: {  	s10 =	sld [smem:$0x3FB6];
	_ =	sdelay $0x3  }
0x33: {  	p0 =	seq.s32 s10, $0x1;
	s10 =	sld [smem:$0x3FB8];
	_ =	sdelay $0x3  }
0x34: {  	[smem:$0x3FB8] =	sst s10  }
0x35: {  	s10 =	sld [smem:$0x3FB7];
	_ =	sdelay $0x3  }
0x36: {  	p1 =	seq.s32 s10, $0x1;
	s10 =	sld [smem:$0x3FB8];
	_ =	sdelay $0x3  }
0x37: {  	[smem:$0x3FB8] =	sst s10  }
0x38: {  	s10 =	sld [smem:$0x3FB9]  }
0x39: {  	_ = 	snop;
	(pc) =	sbr.ind lr, $3  }
0x3a: {  	_ = 	snop  }
0x3b: {  	_ = 	snop  }
0x3c: {  	p2 =	seq.s32 s10, $0x1;
	s10 =	sld [smem:$0x3FB8]  }
0x3d: {  	_ =	shalt  }
0x3e: {  	_ =	shalt  }
0x3f: {  	_ =	shalt  }
0x40: {  	_ =	shalt  }
0x41: {  	_ =	shalt  }
0x42: {  	_ =	shalt  }
0x43: {  	_ =	shalt  }
0x44: {  	_ =	shalt  }
0x45: {  	_ =	shalt  }
0x46: {  	_ =	shalt  }
0x47: {  	_ =	shalt  }
0x48: {  	_ =	shalt  }
0x49: {  	_ =	shalt  }
0x4a: {  	_ =	shalt  }
0x4b: {  	_ =	shalt  }
0x4c: {  	_ =	shalt  }
0x4d: {  	_ =	shalt  }
0x4e: {  	_ =	shalt  }
0x4f: {  	_ =	shalt  }
0x50: {  	_ =	shalt  }
0x51: {  	_ =	shalt  }
0x52: {  	_ =	shalt  }
0x53: {  	_ =	shalt  }
0x54: {  	_ =	shalt  }
0x55: {  	_ =	shalt  }
0x56: {  	_ =	shalt  }
0x57: {  	_ =	shalt  }
0x58: {  	_ =	shalt  }
0x59: {  	_ =	shalt  }
0x5a: {  	_ =	shalt  }
0x5b: {  	_ =	shalt  }
0x5c: {  	_ =	shalt  }
0x5d: {  	_ =	shalt  }
0x5e: {  	_ =	shalt  }
0x5f: {  	_ =	shalt  }
0x60: {  	_ =	shalt  }
0x61: {  	_ =	shalt  }
0x62: {  	_ =	shalt  }
0x63: {  	_ =	shalt  }
0x64: {  	_ =	shalt  }
0x65: {  	_ =	shalt  }
0x66: {  	_ =	shalt  }
0x67: {  	_ =	shalt  }
0x68: {  	_ =	shalt  }
0x69: {  	_ =	shalt  }
0x6a: {  	_ =	shalt  }
0x6b: {  	_ =	shalt  }
0x6c: {  	_ =	shalt  }
0x6d: {  	_ =	shalt  }
0x6e: {  	_ =	shalt  }
0x6f: {  	_ =	shalt  }
0x70: {  	_ =	shalt  }
0x71: {  	_ =	shalt  }
0x72: {  	_ =	shalt  }
0x73: {  	_ =	shalt  }
0x74: {  	_ =	shalt  }
0x75: {  	_ =	shalt  }
0x76: {  	_ =	shalt  }
0x77: {  	_ =	shalt  }
0x78: {  	_ =	shalt  }
0x79: {  	_ =	shalt  }
0x7a: {  	_ =	shalt  }
0x7b: {  	_ =	shalt  }
0x7c: {  	_ =	shalt  }
0x7d: {  	_ =	shalt  }
0x7e: {  	_ =	shalt  }
0x7f: {  	_ =	shalt  }
0x80: {  	_ =	shalt  }
0x81: {  	_ =	shalt  }
0x82: {  	_ =	shalt  }
0x83: {  	_ =	shalt  }
0x84: {  	_ =	shalt  }
0x85: {  	_ =	shalt  }
0x86: {  	_ =	shalt  }
0x87: {  	_ =	shalt  }
.Lfunc_end0:
.L_simem_size_0:
called_computation.1_lowered:
.L_overlay_start_0:
0x88: {  	s2 =	sld [smem:$0x3FD9]  }
0x89: {  	s3 =	sld [smem:$0x3FFE];
	_ =	sdelay $0x1  }
0x8a: {  	s1 =	srdreg.scid  }
0x8b: {  	s0 =	sand.u32 $0x1, s1  }
0x8c: {  	s17 =	sshll.u32 s0, $0xA;
	s2 =	sadd.s32 s3, s2  }
0x8d: {  	s2 =	sadd.s32 s2, s17  }
0x8e: {  	[smem:$0x3FC4] =	sst s2  }
0x8f: {  	_ = 	snop  }
0x90: {  	s2 =	sld [smem:$0x3FD0];
	(tm) =	ssettm $0x1  }
0x91: {  	s18 =	sld [smem:$0x3FFB];
	_ =	sdelay $0x3  }
0x92: {  	_ =	strace s18  }
0x93: {  	s3 =	sld [smem:$0x3FFC];
	_ =	sdelay $0x3  }
0x94: {  	_ =	strace s3  }
0x95: {  	s3 =	sld [smem:$0x3FFD];
	_ =	sdelay $0x3  }
0x96: {  	_ =	strace s3  }
0x97: {  	_ =	strace $0x8FFFFFFF  }
0x98: {  	s19 =	sld [smem:$0x3FDB];
	_ =	sdelay $0x1  }
0x99: {  	s4 =	simm.s32 $_scs_section_size  }
0x9a: {  	s5 =	simm.s32 $_size__tile_overlayer_lowered;
	s6 =	simm.s32 $_tile_overlayer_lowered  }
0x9b: {  	s22 =	simm.s32 $0x1BFF;
	s21 =	sshll.u32 s6, $0x1;
	s3 =	sadd.s32 s4, s19  }
0x9c: {  	s7 =	simm.s32 $0x0;
	s20 =	sshll.u32 s5, $0x1;
	s5 =	sadd.s32 s21, s3  }
0x9d: {  	[timem:s7], [sflag:s22] =	dma.local [hbm:s5], s20  }
0x9e: {  	_ =	swait.ge [sflag:s22], s20  }
0x9f: {  	s4 =	ssub.s32 $0x0, s20;
	[sflag:s22] =	ssyncset.done $0x0  }
0xa0: {  	[sflag:s22] =	ssyncadd.s32 s4;
	_ =	sdelay $0x1  }
0xa1: {  	s23 =	simm.s32 $0x1B8B  }
0xa2: {  	_ =	swait.ge [sflag:s23], $0x1  }
0xa3: {  	[sflag:s23] =	ssyncset.done $0x0  }
0xa4: {  	s25 =	simm.s32 $0x1B8E;
	s24 =	sld [smem:$0x3FFE];
	[sflag:s23] =	ssyncadd.s32 $0xFFFFFFFF  }
0xa5: {  	s26 =	simm.s32 $execute0_lowered;
	[smem:$0x3FD2] =	sst s25  }
0xa6: {  	s5 =	sshll.u32 s26, $0x1;
	_ =	strace $0x80000049;
	[dreg:$0x1] =	wrdreg $0xFFFFFFFF  }
0xa7: {  	s28 =	simm.s32 $_size_execute0_lowered;
	s3 =	sadd.s32 s3, s5;
	[dreg:$0x0] =	wrdreg $0x0  }
0xa8: {  	s5 =	sshll.u32 s28, $0x1;
	[dreg:$0x2] =	wrdreg s3  }
0xa9: {  	[dreg:$0x3] =	wrdreg s5  }
0xaa: {  	[dreg:$0x4] =	wrdreg $0xC0  }
0xab: {  	_ =	task [dreg:s7], $0x5FFFF  }
0xac: {  	[dreg:$0x1] =	wrdreg $0xFFFFFFFF  }
0xad: {  	[dreg:$0x0] =	wrdreg $0x60  }
0xae: {  	[dreg:$0x2] =	wrdreg s2  }
0xaf: {  	[dreg:$0x3] =	wrdreg s24  }
0xb0: {  	[dreg:$0x4] =	wrdreg $0x0  }
0xb1: {  	[dreg:$0x5] =	wrdreg $0x9  }
0xb2: {  	_ =	task.clear_ibuf [dreg:s7], $0x6FFFF;
	_ =	strace $0x90000049  }
0xb3: {  	s29 =	simm.s32 $0x9;
	_ =	strace $0x8000004B  }
0xb4: {  	_ =	swait.ge [sflag:s29], $0x1  }
0xb5: {  	[sflag:s29] =	ssyncadd.s32 $0xFFFFFFFF  }
0xb6: {  	_ =	strace $0x9000004B  }
0xb7: {  	_ =	sfence  }
0xb8: {  	s30 =	sld [smem:$0x0];
	_ =	sdelay $0x2  }
0xb9: {  	s31 =	sshll.u32 s1, $0xD;
	s1 =	sshrl.u32 s1, $0x2  }
0xba: {  	s3 =	sand.u32 $0x4000, s31;
	s1 =	sadd.s32 s1, s30  }
0xbb: {  	s0 =	sor.u32 s3, s0;
	s1 =	sshll.u32 s1, $0x11  }
0xbc: {  	s0 =	sor.u32 s1, s0  }
0xbd: {  	s0 =	sadd.s32 $0x8F2B, s0  }
0xbe: {  	[sflag:s0] =	ssyncadd.remote.s32 $0x1  }
0xbf: {  	_ =	sfence.sel $0xFFFF  }
0xc0: {  	[dreg:$0x0] =	wrdreg $0xFFFFFFFF;
	(pc) =	sbr.abs _section_cstart, $3  }
0xc1: {  	[dreg:$0x1] =	wrdreg $0xFFFFFFFF  }
0xc2: {  	_ =	task.clear_ibuf [dreg:s7], $0x2FFFF;
	_ =	strace $0x9FFFFFFF  }
0xc3: {  	(tm) =	ssettm $0x7FFFFFFF  }
tec
execute0_lowered:
.L_overlay_start_1:
0x0: {  	(tag) =	ssettag $0x1  }
0x1: {  	s1 =	rddreg [dreg:$0x0]  }
0x2: {  	s0 =	rddreg [dreg:$0x1]  }
0x3: {  	s3 =	rddreg [dreg:$0x2]  }
0x4: {  	s4 =	simm.s32 $0x0;
	s12 =	stileid.u32;
	s6 =	srdreg.scid  }
0x5: {  	s15 =	simm.s32 $0x16800;
	s16 =	simm.s32 $0x16880;
	s19 =	simm.s32 $0x16900  }
0x6: {  	s28 =	simm.s32 $0x7;
	s29 =	simm.s32 $0x3;
	s30 =	simm.s32 $0x6  }
0x7: {  	s31 =	simm.s32 $0x8;
	[smem:$0x7FF] =	sst s4;
	s2 =	smul.u32 $0x14000, s12  }
0x8: {  	s5 =	sadd.s32 $0xC00, s0;
	s7 =	smul.u32 $0x500, s12;
	s6 =	sand.u32 $0x1, s6  }
0x9: {  	s11 =	smul.u32 $0x50000, s12;
	s26 =	sshll.u32 s12, $0x6;
	_ =	strace $0x8000004A  }
0xa: {  	s9 =	smul.u32 $0x140000, s6;
	s10 =	sshll.u32 s6, $0x4;
	s20 =	ssub.s32 $0x2, s6  }
0xb: {  	s8 =	sshrl.u32 s2, $0x3;
	s7 =	sadd.s32 s7, s0;
	s10 =	sor.u32 s12, s10  }
0xc: {  	s21 =	sshrl.u32 s20, $0x1;
	s24 =	sshrl.u32 s11, $0x2;
	s8 =	sadd.s32 s8, s0  }
0xd: {  	s2 =	sadd.s32 s2, s9;
	s6 =	smul.u32 $0x2800, s10;
	s22 =	ssub.s32 s20, s21  }
0xe: {  	s7 =	sadd.s32 $0x83400, s7;
	s20 =	simm.s32 $0x1;
	s21 =	simm.s32 $0x80  }
0xf: {  	s2 =	sshrl.u32 s2, $0x3;
	[dreg:$0x4] =	wrdreg s7;
	s7 =	sadd.s32 s24, s3  }
0x10: {  	s8 =	sadd.s32 $0xB400, s8;
	s25 =	smax.u32 s22, $0x1;
	s22 =	simm.s32 $0x16A00  }
0x11: {  	s24 =	simm.s32 $0x2;
	s0 =	sadd.s32 s2, s0;
	[dreg:$0x7] =	wrdreg s8  }
0x12: {  	s23 =	sshrl.u32 s6, $0x3;
	[dreg:$0x9] =	wrdreg s25;
	s10 =	sshrl.u32 s7, $0x3  }
0x13: {  	s8 =	simm.s32 $0x9;
	s9 =	sadd.s32 s5, s23;
	[dreg:$0xb] =	wrdreg s10  }
0x14: {  	s25 =	simm.s32 $0x1AA00;
	s0 =	sadd.s32 $0x33400, s0;
	[dreg:$0x5] =	wrdreg s9  }
0x15: {  	s7 =	simm.s32 $0x0;
	s9 =	sadd.s32 $0x10, s9;
	[dreg:$0x8] =	wrdreg s0  }
0x16: {  	s23 =	simm.s32 $0x16980;
	[dreg:$0x6] =	wrdreg s9;
	s9 =	sor.u32 $0x1C09, s26  }
0x17: {  	s0 =	simm.s32 $0x4;
	s26 =	simm.s32 $0x5;
	[dreg:$0xa] =	wrdreg s9  }
.LBB2_1:
0x18: {  	[dreg:$0xc] =	wrdreg s7  }
0x19: {  	s2 =	rddreg [dreg:$0x4];
	s17 =	simm.s32 $0x14000  }
0x1a: {  	[tilespmem:s17], [sflag:$0x9] =	stream.linear.gather [hbm4b:s2+s4], $0x2800, $0x38;
	[tilespmem:$0x1EA00] =	vst v63  }
0x1b: {  	_ =	swait.ge [sflag:s8], $0x2800  }
0x1c: {  	[sflag:s8] =	ssyncset.done $0x0;
	s18 =	rddreg [dreg:$0x5]  }
0x1d: {  	s7 =	rddreg [dreg:$0x6];
	[sflag:s8] =	ssyncadd.s32 $0xFFFFD800  }
0x1e: {  	[tilespmem:s15], [sflag:$0x1] =	stream.linear.gather [hbm4b:s18+s4], $0x80, $0x38;
	[tilespmem:$0x1EA00] =	vst v63  }
0x1f: {  	s11 =	rddreg [dreg:$0x7]  }
0x20: {  	[tilespmem:s16], [sflag:$0x2] =	stream.linear.gather [hbm4b:s7+s4], $0x80, $0x38;
	[tilespmem:$0x1EA00] =	vst v63  }
0x21: {  	[spmem:s10], [sflag:s9] =	dma.local [hbm:s11], $0x2800  }
0x22: {  	s12 =	simm.s32 $0x0;
	_ =	swait.ge [sflag:s8], $0x2800  }
0x23: {  	p0 =	por $0x1, $0x1;
	s13 =	simm.s32 $0x100;
	[sflag:s8] =	ssyncset.done $0x0  }
0x24: {  	s14 =	sand.u32 $0x3C00, s12;
	s7 =	sand.u32 $0x300, s13;
	[sflag:s8] =	ssyncadd.s32 $0xFFFFD800  }
0x25: {  	s9 =	simm.s32 @!p0 $0x7;
	s8 =	sadd.s32 s6, s14;
	[bflag:$0x0] =	sbarrier.arrive $0xFFFF  }
0x26: {  	s7 =	sor.u32 s8, s7;
	_ =	swait.ge @!p0 [sflag:s9], $0x4000  }
0x27: {  	s7 =	sshrl.u32 s7, $0x3;
	[sflag:s9] =	ssyncset.done @!p0 $0x0  }
0x28: {  	s7 =	sadd.s32 s5, s7;
	[sflag:s9] =	ssyncadd.s32 @!p0 $0xFFFFC000  }
0x29: {  	[tilespmem:s19], [sflag:$0x3] =	stream.linear.gather [hbm4b:s7+s4], $0x80, $0x38;
	[tilespmem:$0x1EA00] =	vst v63  }
0x2a: {  	_ =	swait.ge [sflag:s20], $0x80  }
0x2b: {  	[sflag:s20] =	ssyncset.done $0x0  }
0x2c: {  	s7 =	simm.s32 @!p0 $0x6;
	[sflag:s20] =	ssyncadd.s32 $0xFFFFFF80  }
0x2d: {  	[tilespmem:s22], [sflag:$0x5] =	stream.indirect.gather [hbm4b:s1+s21], $0x80, s15, s21, $0xb8;
	[tilespmem:$0x1EA00] =	vst v63  }
0x2e: {  	s2 =	sand.u32 $0x200, s12;
	s10 =	simm.s32 @!p0 $0x1AA00;
	_ =	swait.ge @!p0 [sflag:s7], $0x4000  }
0x2f: {  	s2 =	sor.u32 s8, s2;
	s8 =	simm.s32 @!p0 $0x13F80;
	[sflag:s7] =	ssyncset.done @!p0 $0x0  }
0x30: {  	s9 =	simm.s32 @!p0 $0x80;
	[sflag:s7] =	ssyncadd.s32 @!p0 $0xFFFFC000;
	s7 =	simm.s32 @!p0 $0x8  }
0x31: {  	[spmem:s3] =	stream.indirect.scatter.add.f32 @!p0 [tilespmem:s10], [sflag:$0x8], $0x80, s8, s9, $0xb8;
	[tilespmem:$0x1EA00] =	vst v63  }
0x32: {  	s2 =	sshrl.u32 s2, $0x3;
	_ =	swait.ge @!p0 [sflag:s7], $0x4000  }
0x33: {  	s2 =	sadd.s32 s2, s5;
	[sflag:s7] =	ssyncset.done @!p0 $0x0  }
0x34: {  	s2 =	sadd.s32 $0x30, s2;
	[sflag:s7] =	ssyncadd.s32 @!p0 $0xFFFFC000  }
0x35: {  	[tilespmem:s23], [sflag:$0x4] =	stream.linear.gather [hbm4b:s2+s4], $0x80, $0x38;
	[tilespmem:$0x1EA00] =	vst v63  }
0x36: {  	_ =	swait.ge [sflag:s24], $0x80  }
0x37: {  	s2 =	simm.s32 $0x0;
	[sflag:s24] =	ssyncset.done $0x0  }
0x38: {  	s2 =	simm.s32 @p0 $0x0;
	p0 =	por $0x0, $0x0;
	[sflag:s24] =	ssyncadd.s32 $0xFFFFFF80  }
0x39: {  	[tilespmem:s25], [sflag:$0x6] =	stream.indirect.gather [hbm4b:s1+s21], $0x80, s16, s21, $0xb8;
	[tilespmem:$0x1EA00] =	vst v63  }
0x3a: {  	s2 =	sshra.s32 s2, $0x2;
	s7 =	simm.s32 @!p0 $0x200;
	_ =	swait.ge [sflag:s26], $0x4000  }
0x3b: {  	s17 =	sadd.s32 $0x14000, s2;
	s9 =	sand.u32 @!p0 $0x7C00, s7;
	[sflag:s26] =	ssyncset.done $0x0  }
0x3c: {  	s7 =	sand.u32 @!p0 $0x200, s7;
	s8 =	sadd.s32 @!p0 s6, s9;
	[sflag:s26] =	ssyncadd.s32 $0xFFFFC000  }
0x3d: {  	[spmem:s3] =	stream.indirect.scatter.add.f32 [tilespmem:s22], [sflag:$0x7], $0x80, s17, s21, $0xb8;
	[tilespmem:$0x1EA00] =	vst v63  }
0x3e: {  	s7 =	sor.u32 @!p0 s7, s8;
	_ =	swait.ge [sflag:s28], $0x4000  }
0x3f: {  	s9 =	simm.s32 @!p0 $0x16800;
	s7 =	sshrl.u32 @!p0 s7, $0x3;
	[sflag:s28] =	ssyncset.done $0x0  }
0x40: {  	s8 =	simm.s32 @!p0 $0x0;
	s7 =	sadd.s32 @!p0 s5, s7;
	[sflag:s28] =	ssyncadd.s32 $0xFFFFC000  }
0x41: {  	[tilespmem:s9], [sflag:$0x1] =	stream.linear.gather @!p0 [hbm4b:s7+s8], $0x80, $0x38;
	[tilespmem:$0x1EA00] =	vst v63  }
0x42: {  	_ =	swait.ge [sflag:s29], $0x80  }
0x43: {  	[sflag:s29] =	ssyncset.done $0x0  }
0x44: {  	[sflag:s29] =	ssyncadd.s32 $0xFFFFFF80  }
0x45: {  	[tilespmem:s22], [sflag:$0x5] =	stream.indirect.gather [hbm4b:s1+s21], $0x80, s19, s21, $0xb8;
	[tilespmem:$0x1EA00] =	vst v63  }
0x46: {  	s7 =	simm.s32 $0x280;
	_ =	swait.ge [sflag:s30], $0x4000  }
0x47: {  	s2 =	sadd.s32 $0x14080, s2;
	s9 =	sand.u32 @!p0 $0x7C00, s7;
	[sflag:s30] =	ssyncset.done $0x0  }
0x48: {  	s7 =	sand.u32 @!p0 $0x280, s7;
	s9 =	sadd.s32 @!p0 s6, s9;
	[sflag:s30] =	ssyncadd.s32 $0xFFFFC000  }
0x49: {  	[spmem:s3] =	stream.indirect.scatter.add.f32 [tilespmem:s25], [sflag:$0x8], $0x80, s2, s21, $0xb8;
	[tilespmem:$0x1EA00] =	vst v63  }
0x4a: {  	s18 =	simm.s32 $0x300;
	s2 =	sor.u32 @!p0 s7, s9;
	_ =	swait.ge [sflag:s31], $0x4000  }
0x4b: {  	s11 =	simm.s32 $0x200;
	s2 =	sshrl.u32 @!p0 s2, $0x3;
	[sflag:s31] =	ssyncset.done $0x0  }
0x4c: {  	s7 =	simm.s32 @!p0 $0x16880;
	s2 =	sadd.s32 @!p0 s5, s2;
	[sflag:s31] =	ssyncadd.s32 $0xFFFFC000  }
0x4d: {  	[tilespmem:s7], [sflag:$0x2] =	stream.linear.gather @!p0 [hbm4b:s2+s8], $0x80, $0x38;
	[tilespmem:$0x1EA00] =	vst v63  }
0x4e: {  	s17 =	sand.u32 $0x300, s18;
	s9 =	simm.s32 $0x680;
	_ =	swait.ge [sflag:s0], $0x80  }
0x4f: {  	s7 =	simm.s32 $0x480;
	s8 =	simm.s32 $0x14100;
	[sflag:s0] =	ssyncset.done $0x0  }
0x50: {  	s2 =	simm.s32 $0x800;
	p0 =	por $0x0, $0x0;
	[sflag:s0] =	ssyncadd.s32 $0xFFFFFF80  }
0x51: {  	[tilespmem:s25], [sflag:$0x6] =	stream.indirect.gather [hbm4b:s1+s21], $0x80, s23, s21, $0xb8;
	[tilespmem:$0x1EA00] =	vst v63  }
.LBB2_2:
0x52: {  	s18 =	sand.u32 $0x3C00, s11;
	s10 =	smov.u32 s2  }
0x53: {  	_ =	swait.ge [sflag:s26], $0x4000;
	s12 =	smov.u32 s9;
	s10 =	simm.s32 @p0 $0x0  }
0x54: {  	s14 =	simm.s32 @!p0 $0x7;
	s10 =	sshra.s32 s10, $0x2;
	[sflag:s26] =	ssyncset.done $0x0  }
0x55: {  	s11 =	sand.u32 $0x200, s11;
	s18 =	sadd.s32 s6, s18;
	[sflag:s26] =	ssyncadd.s32 $0xFFFFC000  }
0x56: {  	[spmem:s3] =	stream.indirect.scatter.add.f32 [tilespmem:s22], [sflag:$0x7], $0x80, s8, s21, $0xb8;
	[tilespmem:$0x1EA00] =	vst v63  }
0x57: {  	s11 =	sor.u32 s18, s11;
	s8 =	sor.u32 s18, s17;
	_ =	swait.ge @!p0 [sflag:s14], $0x4000  }
0x58: {  	s11 =	sshrl.u32 s11, $0x3;
	s8 =	sshrl.u32 s8, $0x3;
	[sflag:s14] =	ssyncset.done @!p0 $0x0  }
0x59: {  	s8 =	sadd.s32 s5, s8;
	[sflag:s14] =	ssyncadd.s32 @!p0 $0xFFFFC000;
	s14 =	sadd.s32 s11, s5  }
0x5a: {  	[tilespmem:s19], [sflag:$0x3] =	stream.linear.gather [hbm4b:s8+s4], $0x80, $0x38;
	[tilespmem:$0x1EA00] =	vst v63  }
0x5b: {  	s9 =	sadd.s32 $0x200, s9;
	s11 =	sshra.s32 s2, $0x2;
	_ =	swait.ge [sflag:s20], $0x80  }
0x5c: {  	p1 =	sne.s32 s9, $0x2A80;
	s8 =	simm.s32 @!p0 $0x6;
	[sflag:s20] =	ssyncset.done $0x0  }
0x5d: {  	s17 =	sshra.s32 @!p0 s2, $0x2;
	[sflag:s20] =	ssyncadd.s32 $0xFFFFFF80  }
0x5e: {  	[tilespmem:s22], [sflag:$0x5] =	stream.indirect.gather [hbm4b:s1+s21], $0x80, s15, s21, $0xb8;
	[tilespmem:$0x1EA00] =	vst v63  }
0x5f: {  	s18 =	simm.s32 @!p0 $0x80;
	s17 =	sadd.s32 @!p0 $0x13F80, s17;
	_ =	swait.ge @!p0 [sflag:s8], $0x4000  }
0x60: {  	s13 =	simm.s32 @!p0 $0x1AA00;
	[sflag:s8] =	ssyncset.done @!p0 $0x0  }
0x61: {  	[sflag:s8] =	ssyncadd.s32 @!p0 $0xFFFFC000;
	s8 =	simm.s32 @!p0 $0x8  }
0x62: {  	[spmem:s3] =	stream.indirect.scatter.add.f32 @!p0 [tilespmem:s13], [sflag:$0x8], $0x80, s17, s18, $0xb8;
	[tilespmem:$0x1EA00] =	vst v63  }
0x63: {  	_ =	swait.ge @!p0 [sflag:s8], $0x4000  }
0x64: {  	[sflag:s8] =	ssyncset.done @!p0 $0x0  }
0x65: {  	[sflag:s8] =	ssyncadd.s32 @!p0 $0xFFFFC000;
	s8 =	sadd.s32 $0x30, s14  }
0x66: {  	[tilespmem:s23], [sflag:$0x4] =	stream.linear.gather [hbm4b:s8+s4], $0x80, $0x38;
	[tilespmem:$0x1EA00] =	vst v63  }
0x67: {  	_ =	swait.ge [sflag:s24], $0x80  }
0x68: {  	[sflag:s24] =	ssyncset.done $0x0  }
0x69: {  	[sflag:s24] =	ssyncadd.s32 $0xFFFFFF80  }
0x6a: {  	[tilespmem:s25], [sflag:$0x6] =	stream.indirect.gather [hbm4b:s1+s21], $0x80, s16, s21, $0xb8;
	[tilespmem:$0x1EA00] =	vst v63  }
0x6b: {  	p0 =	seq.s32 s7, $0x2880;
	_ =	swait.ge [sflag:s26], $0x4000  }
0x6c: {  	s8 =	sadd.s32 @!p0 $0xFFFFFF80, s7;
	s13 =	sand.u32 @!p0 $0x7C00, s7;
	[sflag:s26] =	ssyncset.done $0x0  }
0x6d: {  	s14 =	sadd.s32 $0x14000, s10;
	s17 =	sand.u32 @!p0 $0x7C00, s8;
	[sflag:s26] =	ssyncadd.s32 $0xFFFFC000  }
0x6e: {  	[spmem:s3] =	stream.indirect.scatter.add.f32 [tilespmem:s22], [sflag:$0x7], $0x80, s14, s21, $0xb8;
	[tilespmem:$0x1EA00] =	vst v63  }
0x6f: {  	s8 =	sand.u32 @!p0 $0x200, s8;
	s14 =	sadd.s32 @!p0 s6, s17;
	_ =	swait.ge [sflag:s28], $0x4000  }
0x70: {  	s13 =	sadd.s32 @!p0 s6, s13;
	s8 =	sor.u32 @!p0 s8, s14;
	[sflag:s28] =	ssyncset.done $0x0  }
0x71: {  	s7 =	sand.u32 @!p0 $0x280, s7;
	s8 =	sshrl.u32 @!p0 s8, $0x3;
	[sflag:s28] =	ssyncadd.s32 $0xFFFFC000  }
0x72: {  	s17 =	simm.s32 @!p0 $0x16800;
	s14 =	simm.s32 @!p0 $0x0;
	s8 =	sadd.s32 @!p0 s5, s8  }
0x73: {  	[tilespmem:s17], [sflag:$0x1] =	stream.linear.gather @!p0 [hbm4b:s8+s14], $0x80, $0x38;
	[tilespmem:$0x1EA00] =	vst v63  }
0x74: {  	s8 =	sor.u32 @!p0 s7, s13;
	s7 =	smov.u32 s12;
	_ =	swait.ge [sflag:s29], $0x80  }
0x75: {  	s8 =	sshrl.u32 @!p0 s8, $0x3;
	[sflag:s29] =	ssyncset.done $0x0  }
0x76: {  	[sflag:s29] =	ssyncadd.s32 $0xFFFFFF80  }
0x77: {  	[tilespmem:s22], [sflag:$0x5] =	stream.indirect.gather [hbm4b:s1+s21], $0x80, s19, s21, $0xb8;
	[tilespmem:$0x1EA00] =	vst v63  }
0x78: {  	_ =	swait.ge [sflag:s30], $0x4000  }
0x79: {  	s10 =	sadd.s32 $0x14080, s10;
	[sflag:s30] =	ssyncset.done $0x0  }
0x7a: {  	[sflag:s30] =	ssyncadd.s32 $0xFFFFC000  }
0x7b: {  	[spmem:s3] =	stream.indirect.scatter.add.f32 [tilespmem:s25], [sflag:$0x8], $0x80, s10, s21, $0xb8;
	[tilespmem:$0x1EA00] =	vst v63  }
0x7c: {  	_ =	swait.ge [sflag:s31], $0x4000  }
0x7d: {  	[sflag:s31] =	ssyncset.done $0x0  }
0x7e: {  	s8 =	sadd.s32 @!p0 s5, s8;
	s10 =	simm.s32 @!p0 $0x16880;
	[sflag:s31] =	ssyncadd.s32 $0xFFFFC000  }
0x7f: {  	[tilespmem:s10], [sflag:$0x2] =	stream.linear.gather @!p0 [hbm4b:s8+s14], $0x80, $0x38;
	[tilespmem:$0x1EA00] =	vst v63  }
.Ltmp0:
0x80: {  	_ = 	snop;
	(pc) =	sbr.rel @p1 .LBB2_2-.Ltmp0, $4  }
0x81: {  	s2 =	sadd.s32 $0x800, s2;
	s8 =	sadd.s32 $0x14100, s11;
	_ =	swait.ge [sflag:s0], $0x80  }
0x82: {  	p0 =	seq.s32 s7, $0x280;
	s10 =	sadd.s32 $0xFFFFFE80, s7;
	[sflag:s0] =	ssyncset.done $0x0  }
0x83: {  	s11 =	sadd.s32 $0xFFFFFD80, s7;
	s17 =	sand.u32 $0x300, s10;
	[sflag:s0] =	ssyncadd.s32 $0xFFFFFF80  }
0x84: {  	[tilespmem:s25], [sflag:$0x6] =	stream.indirect.gather [hbm4b:s1+s21], $0x80, s23, s21, $0xb8;
	[tilespmem:$0x1EA00] =	vst v63  }
0x85: {  	_ =	swait.ge [sflag:s26], $0x4000  }
0x86: {  	s9 =	sand.u32 $0x3C00, s11;
	[sflag:s26] =	ssyncset.done $0x0  }
0x87: {  	s10 =	simm.s32 @!p0 $0x7;
	s9 =	sadd.s32 s6, s9;
	[sflag:s26] =	ssyncadd.s32 $0xFFFFC000  }
0x88: {  	[spmem:s3] =	stream.indirect.scatter.add.f32 [tilespmem:s22], [sflag:$0x7], $0x80, s8, s21, $0xb8;
	[tilespmem:$0x1EA00] =	vst v63  }
0x89: {  	s14 =	sor.u32 s9, s17;
	_ =	swait.ge @!p0 [sflag:s10], $0x4000  }
0x8a: {  	s8 =	sshrl.u32 s14, $0x3;
	[sflag:s10] =	ssyncset.done @!p0 $0x0  }
0x8b: {  	s8 =	sadd.s32 s5, s8;
	[sflag:s10] =	ssyncadd.s32 @!p0 $0xFFFFC000  }
0x8c: {  	[tilespmem:s19], [sflag:$0x3] =	stream.linear.gather [hbm4b:s8+s4], $0x80, $0x38;
	[tilespmem:$0x1EA00] =	vst v63  }
0x8d: {  	_ =	swait.ge [sflag:s20], $0x80  }
0x8e: {  	[sflag:s20] =	ssyncset.done $0x0  }
0x8f: {  	s8 =	simm.s32 @!p0 $0x6;
	[sflag:s20] =	ssyncadd.s32 $0xFFFFFF80  }
0x90: {  	[tilespmem:s22], [sflag:$0x5] =	stream.indirect.gather [hbm4b:s1+s21], $0x80, s15, s21, $0xb8;
	[tilespmem:$0x1EA00] =	vst v63  }
0x91: {  	s12 =	simm.s32 @!p0 $0x80;
	_ =	swait.ge @!p0 [sflag:s8], $0x4000  }
0x92: {  	s17 =	sand.u32 $0x200, s11;
	s10 =	sshra.s32 @!p0 s2, $0x2;
	[sflag:s8] =	ssyncset.done @!p0 $0x0  }
0x93: {  	s10 =	sadd.s32 @!p0 $0x13F80, s10;
	[sflag:s8] =	ssyncadd.s32 @!p0 $0xFFFFC000;
	s8 =	simm.s32 @!p0 $0x1AA00  }
0x94: {  	[spmem:s3] =	stream.indirect.scatter.add.f32 @!p0 [tilespmem:s8], [sflag:$0x8], $0x80, s10, s12, $0xb8;
	[tilespmem:$0x1EA00] =	vst v63  }
0x95: {  	s8 =	sor.u32 s9, s17;
	s9 =	simm.s32 @!p0 $0x8  }
0x96: {  	s8 =	sshrl.u32 s8, $0x3;
	_ =	swait.ge @!p0 [sflag:s9], $0x4000  }
0x97: {  	s8 =	sadd.s32 s8, s5;
	[sflag:s9] =	ssyncset.done @!p0 $0x0  }
0x98: {  	[sflag:s9] =	ssyncadd.s32 @!p0 $0xFFFFC000;
	s8 =	sadd.s32 $0x30, s8  }
0x99: {  	[tilespmem:s23], [sflag:$0x4] =	stream.linear.gather [hbm4b:s8+s4], $0x80, $0x38;
	[tilespmem:$0x1EA00] =	vst v63  }
0x9a: {  	_ =	swait.ge [sflag:s24], $0x80  }
0x9b: {  	s8 =	smov.u32 s2;
	[sflag:s24] =	ssyncset.done $0x0  }
0x9c: {  	s8 =	simm.s32 @p0 $0x0;
	p0 =	seq.s32 s7, $0x2880;
	[sflag:s24] =	ssyncadd.s32 $0xFFFFFF80  }
0x9d: {  	[tilespmem:s25], [sflag:$0x6] =	stream.indirect.gather [hbm4b:s1+s21], $0x80, s16, s21, $0xb8;
	[tilespmem:$0x1EA00] =	vst v63  }
0x9e: {  	s8 =	sshra.s32 s8, $0x2;
	s9 =	sadd.s32 @!p0 $0xFFFFFF80, s7;
	_ =	swait.ge [sflag:s26], $0x4000  }
0x9f: {  	s18 =	sadd.s32 $0x14000, s8;
	s11 =	sand.u32 @!p0 $0x7C00, s9;
	[sflag:s26] =	ssyncset.done $0x0  }
0xa0: {  	s9 =	sand.u32 @!p0 $0x200, s9;
	s10 =	sadd.s32 @!p0 s6, s11;
	[sflag:s26] =	ssyncadd.s32 $0xFFFFC000  }
0xa1: {  	[spmem:s3] =	stream.indirect.scatter.add.f32 [tilespmem:s22], [sflag:$0x7], $0x80, s18, s21, $0xb8;
	[tilespmem:$0x1EA00] =	vst v63  }
0xa2: {  	s9 =	sor.u32 @!p0 s9, s10;
	_ =	swait.ge [sflag:s28], $0x4000  }
0xa3: {  	s11 =	simm.s32 @!p0 $0x16800;
	s9 =	sshrl.u32 @!p0 s9, $0x3;
	[sflag:s28] =	ssyncset.done $0x0  }
0xa4: {  	s10 =	simm.s32 @!p0 $0x0;
	s9 =	sadd.s32 @!p0 s5, s9;
	[sflag:s28] =	ssyncadd.s32 $0xFFFFC000  }
0xa5: {  	[tilespmem:s11], [sflag:$0x1] =	stream.linear.gather @!p0 [hbm4b:s9+s10], $0x80, $0x38;
	[tilespmem:$0x1EA00] =	vst v63  }
0xa6: {  	_ =	swait.ge [sflag:s29], $0x80  }
0xa7: {  	[sflag:s29] =	ssyncset.done $0x0  }
0xa8: {  	[sflag:s29] =	ssyncadd.s32 $0xFFFFFF80  }
0xa9: {  	[tilespmem:s22], [sflag:$0x5] =	stream.indirect.gather [hbm4b:s1+s21], $0x80, s19, s21, $0xb8;
	[tilespmem:$0x1EA00] =	vst v63  }
0xaa: {  	_ =	swait.ge [sflag:s30], $0x4000  }
0xab: {  	[sflag:s30] =	ssyncset.done $0x0  }
0xac: {  	s8 =	sadd.s32 $0x14080, s8;
	[sflag:s30] =	ssyncadd.s32 $0xFFFFC000  }
0xad: {  	[spmem:s3] =	stream.indirect.scatter.add.f32 [tilespmem:s25], [sflag:$0x8], $0x80, s8, s21, $0xb8;
	[tilespmem:$0x1EA00] =	vst v63  }
0xae: {  	s8 =	sand.u32 @!p0 $0x7C00, s7  }
0xaf: {  	s7 =	sand.u32 @!p0 $0x280, s7;
	s8 =	sadd.s32 @!p0 s6, s8  }
0xb0: {  	_ =	swait.ge [sflag:s31], $0x4000;
	s7 =	sor.u32 @!p0 s7, s8  }
0xb1: {  	[sflag:s31] =	ssyncset.done $0x0;
	s7 =	sshrl.u32 @!p0 s7, $0x3  }
0xb2: {  	s8 =	simm.s32 @!p0 $0x16880;
	[sflag:s31] =	ssyncadd.s32 $0xFFFFC000;
	s7 =	sadd.s32 @!p0 s5, s7  }
0xb3: {  	[tilespmem:s8], [sflag:$0x2] =	stream.linear.gather @!p0 [hbm4b:s7+s10], $0x80, $0x38;
	[tilespmem:$0x1EA00] =	vst v63  }
0xb4: {  	_ =	swait.ge [sflag:s0], $0x80  }
0xb5: {  	[sflag:s0] =	ssyncset.done $0x0  }
0xb6: {  	[sflag:s0] =	ssyncadd.s32 $0xFFFFFF80  }
0xb7: {  	[tilespmem:s25], [sflag:$0x6] =	stream.indirect.gather [hbm4b:s1+s21], $0x80, s23, s21, $0xb8;
	[tilespmem:$0x1EA00] =	vst v63  }
0xb8: {  	_ =	swait.ge [sflag:s26], $0x4000  }
0xb9: {  	s12 =	sshra.s32 s2, $0x2;
	[sflag:s26] =	ssyncset.done $0x0  }
0xba: {  	s2 =	sadd.s32 $0x14100, s12;
	[sflag:s26] =	ssyncadd.s32 $0xFFFFC000  }
0xbb: {  	[spmem:s3] =	stream.indirect.scatter.add.f32 [tilespmem:s22], [sflag:$0x7], $0x80, s2, s21, $0xb8;
	[tilespmem:$0x1EA00] =	vst v63  }
0xbc: {  	_ =	swait.ge [sflag:s30], $0x4000  }
0xbd: {  	[sflag:s30] =	ssyncset.done $0x0  }
0xbe: {  	s13 =	simm.s32 $0x16780;
	[sflag:s30] =	ssyncadd.s32 $0xFFFFC000  }
0xbf: {  	[spmem:s3] =	stream.indirect.scatter.add.f32 [tilespmem:s25], [sflag:$0x8], $0x80, s13, s21, $0xb8;
	[tilespmem:$0x1EA00] =	vst v63  }
0xc0: {  	_ =	swait.ge [sflag:s28], $0x4000  }
0xc1: {  	[sflag:s28] =	ssyncset.done $0x0  }
0xc2: {  	[sflag:s28] =	ssyncadd.s32 $0xFFFFC000  }
0xc3: {  	_ =	swait.ge [sflag:s31], $0x4000  }
0xc4: {  	[sflag:s31] =	ssyncset.done $0x0  }
0xc5: {  	[sflag:s31] =	ssyncadd.s32 $0xFFFFC000  }
0xc6: {  	[bflag:$0x0] =	sbarrier.arrive $0xFFFF  }
0xc7: {  	s14 =	rddreg [dreg:$0x8]  }
0xc8: {  	s9 =	rddreg [dreg:$0xa]  }
0xc9: {  	s8 =	simm.s32 $0x9;
	s10 =	rddreg [dreg:$0xb]  }
0xca: {  	[hbm:s14], [sflag:s9] =	dma.local [spmem:s10], $0x2800  }
0xcb: {  	_ =	swait.ge [sflag:s8], $0x2800  }
0xcc: {  	s17 =	rddreg [dreg:$0xc]  }
0xcd: {  	s18 =	rddreg [dreg:$0x9];
	s7 =	sadd.s32 $0x1, s17  }
0xce: {  	p0 =	sne.s32 s7, s18  }
.Ltmp1:
0xcf: {  	_ = 	snop;
	(pc) =	sbr.rel @p0 .LBB2_1-.Ltmp1, $3  }
0xd0: {  	_ =	sdelay $0x1  }
0xd1: {  	[sflag:s8] =	ssyncset.done $0x0  }
0xd2: {  	[sflag:s8] =	ssyncadd.s32 $0xFFFFD800  }
0xd3: {  	_ =	sfence.sel $0x180000  }
0xd4: {  	[bflag:$0x0] =	sbarrier.arrive $0xFFFF  }
0xd5: {  	_ =	strace $0x9000004A  }
0xd6: {  	s0 =	stileid.u32;
	[bflag:$0x2] =	sbarrier.arrive $0xFFFF  }
0xd7: {  	p0 =	sne.s32 s0, $0x0;
	s0 =	rddreg [dreg:$0x3]  }
0xd8: {  	s0 =	sadd.s32 @!p0 $0x100000, s0  }
0xd9: {  	[sflag:s0] =	ssyncadd.tile.s32 @!p0 $0x1;
	_ =	shalt  }
.Lfunc_end2:
_tile_overlayer_lowered:
.L_overlay_start_2:
0xda: {  	(tag) =	ssettag $0x2  }
0xdb: {  	s0 =	rddreg [dreg:$0x0];
	s2 =	stileid.u32  }
0xdc: {  	s1 =	rddreg [dreg:$0x1];
	p0 =	sne.s32 s2, $0x0  }
0xdd: {  	s3 =	rddreg [dreg:$0x2];
	[bflag:$0x3] =	sbarrier.arrive $0xFFFF;
	s2 =	simm.s32 @!p0 $0x1C09  }
0xde: {  	[timem:s3], [sflag:s2] =	dma.local @!p0 [hbm:s0], s1  }
0xdf: {  	s0 =	simm.s32 @!p0 $0x9  }
0xe0: {  	_ =	swait.ge @!p0 [sflag:s0], s1  }
0xe1: {  	s1 =	ssub.s32 @!p0 $0x0, s1;
	[sflag:s0] =	ssyncset.done @!p0 $0x0  }
0xe2: {  	[sflag:s0] =	ssyncadd.s32 @!p0 s1  }
0xe3: {  	[bflag:$0x3] =	sbarrier.arrive $0xFFFF  }
0xe4: {  	_ =	shalt  }

</sc_bundles>
